<compile_context>
chip_gen: v7x
topology: tpu7x:2x2x1
jax: 0.10.2.dev20260603
libtpu: 0.0.44.dev20260713+nightly
codegen_flags: <defaults>
</compile_context>

<pallas_src>
import functools

import jax
import jax.numpy as jnp
from jax import lax
from jax.experimental import pallas as pl
from jax.experimental.pallas import tpu as pltpu
from jax.experimental.pallas import tpu_sc as plsc

DIM = 1024
HIDDEN = 2048
E = 16
N_TOK = 2048
CAP = 160
SLOTS = E * CAP

NC = 2
NS = 16
NW = NC * NS
DISP_CHUNK = SLOTS // NW
COMB_CHUNK = N_TOK // NW

HB = 1024
NH = HIDDEN // HB



def _router_body(x_ref, gw_ref, dsc_ref, dg_ref, wp_ref):
    x = x_ref[...]
    gw = gw_ref[...]
    logits = lax.dot_general(
        gw, x, (((1,), (1,)), ((), ())),
        preferred_element_type=jnp.float32,
        precision=lax.Precision.DEFAULT)

    m = jnp.max(logits, axis=0, keepdims=True)
    ex = jnp.exp(logits - m)
    s = jnp.sum(ex, axis=0, keepdims=True)
    p = 1.0 / s
    w = p / (p + 1e-9)

    erow = lax.broadcasted_iota(jnp.int32, (E, N_TOK), 0)
    ids = jnp.min(jnp.where(logits == m, erow, E), axis=0, keepdims=True)

    onehot = (erow == ids).astype(jnp.float32)

    cols = lax.broadcasted_iota(jnp.int32, (E, N_TOK), 1)
    cum = onehot
    k = 1
    while k < N_TOK:
        rolled = pltpu.roll(cum, k, 1)
        cum = cum + jnp.where(cols >= k, rolled, 0.0)
        k *= 2

    slot = (jnp.sum(onehot * cum, axis=0, keepdims=True) - 1.0).astype(jnp.int32)

    cnt = cum[:, N_TOK - 1:N_TOK].astype(jnp.int32)
    ecol = lax.broadcasted_iota(jnp.int32, (E, 1), 0)
    e_star = jnp.min(jnp.where(cnt < CAP, ecol, E), axis=0, keepdims=True)
    cnt_star = jnp.sum(jnp.where(ecol == e_star, cnt, 0), axis=0, keepdims=True)
    sentinel = e_star * CAP + cnt_star

    valid = slot < CAP
    dest = ids * CAP + slot
    dsc_ref[...] = jnp.where(valid, dest, SLOTS)
    dg_ref[...] = jnp.where(valid, dest, jnp.broadcast_to(sentinel, (1, N_TOK)))
    wp_ref[...] = w


def _router(x_flat, gate_W):
    return pl.pallas_call(
        _router_body,
        out_shape=(
            jax.ShapeDtypeStruct((1, N_TOK), jnp.int32),
            jax.ShapeDtypeStruct((1, N_TOK), jnp.int32),
            jax.ShapeDtypeStruct((1, N_TOK), jnp.float32),
        ),
    )(x_flat, gate_W)



def _dispatch_body(x_hbm, dsc_hbm, wp_hbm, xe_hbm, ws_hbm,
                   dsc_v, wp_v, tidx_v, wslot_v, idx_v, wsb_v, rows_v, sem):
    wid = lax.axis_index("s") * NC + lax.axis_index("c")
    pltpu.sync_copy(dsc_hbm, dsc_v)
    pltpu.sync_copy(wp_hbm, wp_v)

    zero_f = jnp.zeros((16,), jnp.float32)
    lane = lax.iota(jnp.int32, 16)

    @plsc.parallel_loop(0, SLOTS // 16, unroll=8)
    def _init(i):
        off = pl.multiple_of(i * 16, 16)
        p = lane + i * 16
        tidx_v[pl.ds(off, 16)] = jnp.where(p < N_TOK, p, p - N_TOK)
        wslot_v[pl.ds(off, 16)] = zero_f

    @plsc.parallel_loop(0, N_TOK // 16, unroll=8)
    def _scatter(i):
        off = pl.multiple_of(i * 16, 16)
        d = dsc_v[pl.ds(off, 16)]
        mvalid = d < SLOTS
        dc = jnp.minimum(d, SLOTS - 1)
        plsc.store_scatter(tidx_v, [dc], lane + i * 16, mask=mvalid)
        wv = wp_v[pl.ds(off, 16)]
        plsc.store_scatter(wslot_v, [dc], wv, mask=mvalid)

    base = wid * DISP_CHUNK
    for j in range(DISP_CHUNK // 16):
        src = pl.multiple_of(base + j * 16, 16)
        idx_v[pl.ds(j * 16, 16)] = tidx_v[pl.ds(src, 16)]
        wsb_v[pl.ds(j * 16, 16)] = wslot_v[pl.ds(src, 16)]

    pltpu.async_copy(x_hbm.at[idx_v], rows_v, sem).wait()
    pltpu.sync_copy(rows_v, xe_hbm.at[pl.ds(base, DISP_CHUNK)])
    pltpu.sync_copy(wsb_v, ws_hbm.at[pl.ds(base, DISP_CHUNK)])


def _dispatch(x_flat, dsc, wp):
    mesh = plsc.VectorSubcoreMesh(core_axis_name="c", subcore_axis_name="s")
    f = pl.kernel(
        _dispatch_body,
        out_type=(
            jax.ShapeDtypeStruct((SLOTS, DIM), jnp.float32),
            jax.ShapeDtypeStruct((SLOTS,), jnp.float32),
        ),
        mesh=mesh,
        scratch_types=[
            pltpu.VMEM((N_TOK,), jnp.int32),
            pltpu.VMEM((N_TOK,), jnp.float32),
            pltpu.VMEM((SLOTS,), jnp.int32),
            pltpu.VMEM((SLOTS,), jnp.float32),
            pltpu.VMEM((DISP_CHUNK,), jnp.int32),
            pltpu.VMEM((DISP_CHUNK,), jnp.float32),
            pltpu.VMEM((DISP_CHUNK, DIM), jnp.float32),
            pltpu.SemaphoreType.DMA,
        ],
        compiler_params=pltpu.CompilerParams(needs_layout_passes=False,
                                             disable_bounds_checks=True),
    )
    return f(x_flat, dsc, wp)



def _ffn_body(xe_ref, wg_ref, wu_ref, wd_ref, ws_ref, y_ref):
    h = pl.program_id(1)
    xe = xe_ref[...]
    wg = wg_ref[0]
    wu = wu_ref[0]
    wd = wd_ref[0]

    dn = (((1,), (1,)), ((), ()))
    g = lax.dot_general(xe, wg, dn, preferred_element_type=jnp.float32,
                        precision=lax.Precision.DEFAULT)
    u = lax.dot_general(xe, wu, dn, preferred_element_type=jnp.float32,
                        precision=lax.Precision.DEFAULT)
    act = (g / (1.0 + jnp.exp(-g))) * u
    y = lax.dot_general(act, wd, dn, preferred_element_type=jnp.float32,
                        precision=lax.Precision.DEFAULT)

    if NH == 1:
        y_ref[...] = y * ws_ref[...]
    else:
        @pl.when(h == 0)
        def _init():
            y_ref[...] = y

        @pl.when((h > 0) & (h < NH - 1))
        def _acc():
            y_ref[...] += y

        @pl.when(h == NH - 1)
        def _scale():
            y_ref[...] = (y_ref[...] + y) * ws_ref[...]


def _ffn(xe, Wg, Wu, Wd, ws):
    return pl.pallas_call(
        _ffn_body,
        grid=(E, NH),
        in_specs=[
            pl.BlockSpec((CAP, DIM), lambda e, h: (e, 0)),
            pl.BlockSpec((1, HB, DIM), lambda e, h: (e, h, 0)),
            pl.BlockSpec((1, HB, DIM), lambda e, h: (e, h, 0)),
            pl.BlockSpec((1, DIM, HB), lambda e, h: (e, 0, h)),
            pl.BlockSpec((CAP, 1), lambda e, h: (e, 0)),
        ],
        out_specs=pl.BlockSpec((CAP, DIM), lambda e, h: (e, 0)),
        out_shape=jax.ShapeDtypeStruct((SLOTS, DIM), jnp.float32),
        compiler_params=pltpu.CompilerParams(
            dimension_semantics=("arbitrary", "arbitrary")),
    )(xe, Wg, Wu, Wd, ws)



def _combine_body(y_hbm, dg_hbm, out_hbm, idx_v, rows_v, sem):
    wid = lax.axis_index("s") * NC + lax.axis_index("c")
    base = wid * COMB_CHUNK
    pltpu.sync_copy(dg_hbm.at[pl.ds(base, COMB_CHUNK)], idx_v)
    pltpu.async_copy(y_hbm.at[idx_v], rows_v, sem).wait()
    pltpu.sync_copy(rows_v, out_hbm.at[pl.ds(base, COMB_CHUNK)])


def _combine(y, dg):
    mesh = plsc.VectorSubcoreMesh(core_axis_name="c", subcore_axis_name="s")
    f = pl.kernel(
        _combine_body,
        out_type=jax.ShapeDtypeStruct((N_TOK, DIM), jnp.float32),
        mesh=mesh,
        scratch_types=[
            pltpu.VMEM((COMB_CHUNK,), jnp.int32),
            pltpu.VMEM((COMB_CHUNK, DIM), jnp.float32),
            pltpu.SemaphoreType.DMA,
        ],
        compiler_params=pltpu.CompilerParams(needs_layout_passes=False,
                                             disable_bounds_checks=True),
    )
    return f(y, dg)



@jax.jit
def kernel(x, gate_W, Wg, Wu, Wd):
    B, S, D = x.shape
    x_flat = x.reshape(-1, D)
    dsc, dg, wp = _router(x_flat, gate_W)
    dsc = dsc.reshape(-1)
    dg = dg.reshape(-1)
    wp = wp.reshape(-1)
    xe, ws = _dispatch(x_flat, dsc, wp)
    y = _ffn(xe, Wg, Wu, Wd, ws.reshape(SLOTS, 1))
    out = _combine(y, dg)
    return out.reshape(B, S, D)

# --- scband reference (transcript-rebuilt; emitter-appended) ---
"""Pipeline reference for scband-mo-effn-59665685676633 (READ-ONLY COPY).

The authoritative reference and input builder live on the scoring server;
editing this copy changes nothing except your own understanding.
"""

import jax, jax.numpy as jnp
import numpy as np

DIM = 1024
HIDDEN = 2048
E = 16
TOP_K = 1
CAP_FACTOR = 1.25

def setup_inputs(seed: int = 0) -> dict:
    key = jax.random.key(seed)
    ks = jax.random.split(key, 5)
    x = jax.random.normal(ks[0], (1, 2048, DIM), dtype=jnp.float32)
    gate_W = jax.random.normal(ks[1], (E, DIM), dtype=jnp.float32) * 0.02
    Wg = jax.random.normal(ks[2], (E, HIDDEN, DIM), dtype=jnp.float32) * 0.02
    Wu = jax.random.normal(ks[3], (E, HIDDEN, DIM), dtype=jnp.float32) * 0.02
    Wd = jax.random.normal(ks[4], (E, DIM, HIDDEN), dtype=jnp.float32) * 0.02
    return {"x": x, "gate_W": gate_W, "Wg": Wg, "Wu": Wu, "Wd": Wd}

def reference(x, gate_W, Wg, Wu, Wd):
    B, S, D = x.shape
    x_flat = x.reshape(-1, D)
    num_tokens = x_flat.shape[0]
    # Router: linear gate (no bias) + softmax
    router_logits = x_flat @ gate_W.T
    router_probs = jax.nn.softmax(router_logits, axis=-1)
    top_k_probs, top_k_indices = jax.lax.top_k(router_probs, TOP_K)
    top_k_weights = top_k_probs / (jnp.sum(top_k_probs, axis=-1, keepdims=True) + 1e-09)
    capacity = int(CAP_FACTOR * num_tokens / E)
    output = jnp.zeros_like(x_flat)
    for k in range(TOP_K):
        expert_indices = top_k_indices[:, k]
        expert_weights = top_k_weights[:, k]
        for expert_id in range(E):
            mask = expert_indices == expert_id
            # stable argsort puts assigned tokens first, in ascending index order
            # (matches torch nonzero ordering + [:capacity] truncation)
            order = jnp.argsort(jnp.where(mask, 0, 1).astype(jnp.int32))
            token_indices = order[:capacity]
            valid = mask[token_indices].astype(x_flat.dtype)
            expert_input = x_flat[token_indices]
            gate = jax.nn.silu(expert_input @ Wg[expert_id].T)
            value = expert_input @ Wu[expert_id].T
            expert_output = (gate * value) @ Wd[expert_id].T
            weights = (expert_weights[token_indices] * valid)[:, None]
            output = output.at[token_indices].add(weights * expert_output)
    return output.reshape(B, S, D)

if __name__ == "__main__":
    import jax
    _d = setup_inputs()
    print(jax.jit(kernel)(*tuple(_d.values())))

</pallas_src>

<mosaic_0001>
#map = affine_map<(d0, d1) -> (0, 0)>
#map1 = affine_map<(d0, d1) -> (0)>
module attributes {stable_mosaic.version = 14 : i64} {
  func.func @_dispatch_body(%arg0: i32, %arg1: i32, %arg2: memref<2048x1024xf32, #tpu.memory_space<hbm>>, %arg3: memref<2048xi32, #tpu.memory_space<hbm>>, %arg4: memref<2048xf32, #tpu.memory_space<hbm>>, %arg5: memref<2560x1024xf32, #tpu.memory_space<hbm>>, %arg6: memref<2560xf32, #tpu.memory_space<hbm>>, %arg7: memref<2048xi32, #tpu.memory_space<vmem>>, %arg8: memref<2048xf32, #tpu.memory_space<vmem>>, %arg9: memref<2560xi32, #tpu.memory_space<vmem>>, %arg10: memref<2560xf32, #tpu.memory_space<vmem>>, %arg11: memref<80xi32, #tpu.memory_space<vmem>>, %arg12: memref<80xf32, #tpu.memory_space<vmem>>, %arg13: memref<80x1024xf32, #tpu.memory_space<vmem>>, %arg14: memref<!tpu.dma_semaphore, #tpu.memory_space<semaphore_mem>>) attributes {dimension_semantics = [#tpu.dimension_semantics<core_parallel>, #tpu.dimension_semantics<subcore_parallel>], iteration_bounds = array<i64: 2, 16>, scalar_prefetch = 0 : i64, scratch_operands = 8 : i64, tpu.core_type = #tpu.core_type<sc_vector_subcore>, window_params = [{transform_indices = #map}, {transform_indices = #map1}, {transform_indices = #map1}, {transform_indices = #map}, {transform_indices = #map1}]} {
    %mul3A = arith.constant 2 : i32
    %mul3A_0 = arith.muli %arg1, %mul3A : i32
    %add3A = arith.addi %mul3A_0, %arg0 : i32
    "tpu.region"() ({
      %run_scoped3A = tpu.sem_alloc : memref<!tpu.dma_semaphore, #tpu.memory_space<semaphore_mem>>
      tpu.enqueue_dma source(%arg3 : memref<2048xi32, #tpu.memory_space<hbm>>) target(%arg7 : memref<2048xi32, #tpu.memory_space<vmem>>) target_semaphore(%run_scoped3A : memref<!tpu.dma_semaphore, #tpu.memory_space<semaphore_mem>>)
      tpu.wait_dma2 semaphore(%run_scoped3A : memref<!tpu.dma_semaphore, #tpu.memory_space<semaphore_mem>>) src(%arg3 : memref<2048xi32, #tpu.memory_space<hbm>>) dst(%arg7 : memref<2048xi32, #tpu.memory_space<vmem>>)
      tpu.yield
    }) : () -> ()
    "tpu.region"() ({
      %run_scoped3A = tpu.sem_alloc : memref<!tpu.dma_semaphore, #tpu.memory_space<semaphore_mem>>
      tpu.enqueue_dma source(%arg4 : memref<2048xf32, #tpu.memory_space<hbm>>) target(%arg8 : memref<2048xf32, #tpu.memory_space<vmem>>) target_semaphore(%run_scoped3A : memref<!tpu.dma_semaphore, #tpu.memory_space<semaphore_mem>>)
      tpu.wait_dma2 semaphore(%run_scoped3A : memref<!tpu.dma_semaphore, #tpu.memory_space<semaphore_mem>>) src(%arg4 : memref<2048xf32, #tpu.memory_space<hbm>>) dst(%arg8 : memref<2048xf32, #tpu.memory_space<vmem>>)
      tpu.yield
    }) : () -> ()
    %broadcast_in_dim3A = arith.constant 0.000000e+00 : f32
    %broadcast_in_dim3A_1 = vector.broadcast %broadcast_in_dim3A : f32 to vector<16xf32>
    %iota3A = tpu.iota {dimensions = array<i32: 0>} : vector<16xi32>
    %parallel_loop3A = arith.constant 0 : i32
    %parallel_loop3A_2 = arith.constant 160 : i32
    %parallel_loop3A_3 = arith.constant 1 : i32
    scf.for %parallel_loop3A_65 = %parallel_loop3A to %parallel_loop3A_2 step %parallel_loop3A_3  : i32 {
      %parallel_loop3A_66 = arith.constant 16 : i32
      %parallel_loop3A_67 = arith.muli %parallel_loop3A_65, %parallel_loop3A_66 : i32
      %parallel_loop3A_68 = tpu.assume_multiple %parallel_loop3A_67, 16 : i32
      %parallel_loop3A_69 = arith.constant 16 : i32
      %parallel_loop3A_70 = arith.muli %parallel_loop3A_65, %parallel_loop3A_69 : i32
      %parallel_loop3A_71 = vector.broadcast %parallel_loop3A_70 : i32 to vector<16xi32>
      %parallel_loop3A_72 = arith.addi %iota3A, %parallel_loop3A_71 : vector<16xi32>
      %parallel_loop3A_73 = arith.constant 2048 : i32
      %parallel_loop3A_74 = vector.broadcast %parallel_loop3A_73 : i32 to vector<16xi32>
      %parallel_loop3A_75 = arith.cmpi slt, %parallel_loop3A_72, %parallel_loop3A_74 : vector<16xi32>
      %parallel_loop3A_76 = arith.constant 2048 : i32
      %parallel_loop3A_77 = vector.broadcast %parallel_loop3A_76 : i32 to vector<16xi32>
      %parallel_loop3A_78 = arith.subi %parallel_loop3A_72, %parallel_loop3A_77 : vector<16xi32>
      %parallel_loop3A_79 = arith.select %parallel_loop3A_75, %parallel_loop3A_72, %parallel_loop3A_78 : vector<16xi1>, vector<16xi32>
      %parallel_loop3A_80 = arith.index_cast %parallel_loop3A_68 : i32 to index
      %parallel_loop3A_81 = tpu.vector_load %arg9[%parallel_loop3A_80] {strides = array<i32>} : memref<2560xi32, #tpu.memory_space<vmem>>, vector<16xi32>,
      tpu.vector_store %arg9[%parallel_loop3A_80], %parallel_loop3A_79 {strides = array<i32>} : memref<2560xi32, #tpu.memory_space<vmem>>, vector<16xi32>,
      %parallel_loop3A_82 = arith.index_cast %parallel_loop3A_68 : i32 to index
      %parallel_loop3A_83 = tpu.vector_load %arg10[%parallel_loop3A_82] {strides = array<i32>} : memref<2560xf32, #tpu.memory_space<vmem>>, vector<16xf32>,
      tpu.vector_store %arg10[%parallel_loop3A_82], %broadcast_in_dim3A_1 {strides = array<i32>} : memref<2560xf32, #tpu.memory_space<vmem>>, vector<16xf32>,
    } {sc.loop_unroll_factor = 8 : i64, sc.parallel_access}
    %parallel_loop3A_4 = arith.constant 0 : i32
    %parallel_loop3A_5 = arith.constant 128 : i32
    %parallel_loop3A_6 = arith.constant 1 : i32
    scf.for %parallel_loop3A_65 = %parallel_loop3A_4 to %parallel_loop3A_5 step %parallel_loop3A_6  : i32 {
      %parallel_loop3A_66 = arith.constant 16 : i32
      %parallel_loop3A_67 = arith.muli %parallel_loop3A_65, %parallel_loop3A_66 : i32
      %parallel_loop3A_68 = tpu.assume_multiple %parallel_loop3A_67, 16 : i32
      %parallel_loop3A_69 = arith.index_cast %parallel_loop3A_68 : i32 to index
      %parallel_loop3A_70 = tpu.vector_load %arg7[%parallel_loop3A_69] {strides = array<i32>} : memref<2048xi32, #tpu.memory_space<vmem>>, vector<16xi32>,
      %parallel_loop3A_71 = arith.constant 2560 : i32
      %parallel_loop3A_72 = vector.broadcast %parallel_loop3A_71 : i32 to vector<16xi32>
      %parallel_loop3A_73 = arith.cmpi slt, %parallel_loop3A_70, %parallel_loop3A_72 : vector<16xi32>
      %parallel_loop3A_74 = arith.constant 2559 : i32
      %parallel_loop3A_75 = vector.broadcast %parallel_loop3A_74 : i32 to vector<16xi32>
      %parallel_loop3A_76 = arith.minsi %parallel_loop3A_70, %parallel_loop3A_75 : vector<16xi32>
      %parallel_loop3A_77 = arith.constant 16 : i32
      %parallel_loop3A_78 = arith.muli %parallel_loop3A_65, %parallel_loop3A_77 : i32
      %parallel_loop3A_79 = vector.broadcast %parallel_loop3A_78 : i32 to vector<16xi32>
      %parallel_loop3A_80 = arith.addi %iota3A, %parallel_loop3A_79 : vector<16xi32>
      tpu.vector_store_idx %arg9[%parallel_loop3A_76], %parallel_loop3A_80 masked %parallel_loop3A_73 : memref<2560xi32, #tpu.memory_space<vmem>>[vector<16xi32>], vector<16xi32>, vector<16xi1>
      %parallel_loop3A_81 = arith.index_cast %parallel_loop3A_68 : i32 to index
      %parallel_loop3A_82 = tpu.vector_load %arg8[%parallel_loop3A_81] {strides = array<i32>} : memref<2048xf32, #tpu.memory_space<vmem>>, vector<16xf32>,
      tpu.vector_store_idx %arg10[%parallel_loop3A_76], %parallel_loop3A_82 masked %parallel_loop3A_73 : memref<2560xf32, #tpu.memory_space<vmem>>[vector<16xi32>], vector<16xf32>, vector<16xi1>
    } {sc.loop_unroll_factor = 8 : i64, sc.parallel_access}
    %mul3A_7 = arith.constant 80 : i32
    %mul3A_8 = arith.muli %add3A, %mul3A_7 : i32
    %add3A_9 = arith.constant 0 : i32
    %add3A_10 = arith.addi %mul3A_8, %add3A_9 : i32
    %multiple_of3A = tpu.assume_multiple %add3A_10, 16 : i32
    %get3A = arith.index_cast %multiple_of3A : i32 to index
    %get3A_11 = tpu.vector_load %arg9[%get3A] {strides = array<i32>} : memref<2560xi32, #tpu.memory_space<vmem>>, vector<16xi32>,
    %swap3A = arith.constant 0 : index
    %swap3A_12 = tpu.vector_load %arg11[%swap3A] {strides = array<i32>} : memref<80xi32, #tpu.memory_space<vmem>>, vector<16xi32>,
    tpu.vector_store %arg11[%swap3A], %get3A_11 {strides = array<i32>} : memref<80xi32, #tpu.memory_space<vmem>>, vector<16xi32>,
    %get3A_13 = arith.index_cast %multiple_of3A : i32 to index
    %get3A_14 = tpu.vector_load %arg10[%get3A_13] {strides = array<i32>} : memref<2560xf32, #tpu.memory_space<vmem>>, vector<16xf32>,
    %swap3A_15 = arith.constant 0 : index
    %swap3A_16 = tpu.vector_load %arg12[%swap3A_15] {strides = array<i32>} : memref<80xf32, #tpu.memory_space<vmem>>, vector<16xf32>,
    tpu.vector_store %arg12[%swap3A_15], %get3A_14 {strides = array<i32>} : memref<80xf32, #tpu.memory_space<vmem>>, vector<16xf32>,
    %add3A_17 = arith.constant 16 : i32
    %add3A_18 = arith.addi %mul3A_8, %add3A_17 : i32
    %multiple_of3A_19 = tpu.assume_multiple %add3A_18, 16 : i32
    %get3A_20 = arith.index_cast %multiple_of3A_19 : i32 to index
    %get3A_21 = tpu.vector_load %arg9[%get3A_20] {strides = array<i32>} : memref<2560xi32, #tpu.memory_space<vmem>>, vector<16xi32>,
    %swap3A_22 = arith.constant 16 : index
    %swap3A_23 = tpu.vector_load %arg11[%swap3A_22] {strides = array<i32>} : memref<80xi32, #tpu.memory_space<vmem>>, vector<16xi32>,
    tpu.vector_store %arg11[%swap3A_22], %get3A_21 {strides = array<i32>} : memref<80xi32, #tpu.memory_space<vmem>>, vector<16xi32>,
    %get3A_24 = arith.index_cast %multiple_of3A_19 : i32 to index
    %get3A_25 = tpu.vector_load %arg10[%get3A_24] {strides = array<i32>} : memref<2560xf32, #tpu.memory_space<vmem>>, vector<16xf32>,
    %swap3A_26 = arith.constant 16 : index
    %swap3A_27 = tpu.vector_load %arg12[%swap3A_26] {strides = array<i32>} : memref<80xf32, #tpu.memory_space<vmem>>, vector<16xf32>,
    tpu.vector_store %arg12[%swap3A_26], %get3A_25 {strides = array<i32>} : memref<80xf32, #tpu.memory_space<vmem>>, vector<16xf32>,
    %add3A_28 = arith.constant 32 : i32
    %add3A_29 = arith.addi %mul3A_8, %add3A_28 : i32
    %multiple_of3A_30 = tpu.assume_multiple %add3A_29, 16 : i32
    %get3A_31 = arith.index_cast %multiple_of3A_30 : i32 to index
    %get3A_32 = tpu.vector_load %arg9[%get3A_31] {strides = array<i32>} : memref<2560xi32, #tpu.memory_space<vmem>>, vector<16xi32>,
    %swap3A_33 = arith.constant 32 : index
    %swap3A_34 = tpu.vector_load %arg11[%swap3A_33] {strides = array<i32>} : memref<80xi32, #tpu.memory_space<vmem>>, vector<16xi32>,
    tpu.vector_store %arg11[%swap3A_33], %get3A_32 {strides = array<i32>} : memref<80xi32, #tpu.memory_space<vmem>>, vector<16xi32>,
    %get3A_35 = arith.index_cast %multiple_of3A_30 : i32 to index
    %get3A_36 = tpu.vector_load %arg10[%get3A_35] {strides = array<i32>} : memref<2560xf32, #tpu.memory_space<vmem>>, vector<16xf32>,
    %swap3A_37 = arith.constant 32 : index
    %swap3A_38 = tpu.vector_load %arg12[%swap3A_37] {strides = array<i32>} : memref<80xf32, #tpu.memory_space<vmem>>, vector<16xf32>,
    tpu.vector_store %arg12[%swap3A_37], %get3A_36 {strides = array<i32>} : memref<80xf32, #tpu.memory_space<vmem>>, vector<16xf32>,
    %add3A_39 = arith.constant 48 : i32
    %add3A_40 = arith.addi %mul3A_8, %add3A_39 : i32
    %multiple_of3A_41 = tpu.assume_multiple %add3A_40, 16 : i32
    %get3A_42 = arith.index_cast %multiple_of3A_41 : i32 to index
    %get3A_43 = tpu.vector_load %arg9[%get3A_42] {strides = array<i32>} : memref<2560xi32, #tpu.memory_space<vmem>>, vector<16xi32>,
    %swap3A_44 = arith.constant 48 : index
    %swap3A_45 = tpu.vector_load %arg11[%swap3A_44] {strides = array<i32>} : memref<80xi32, #tpu.memory_space<vmem>>, vector<16xi32>,
    tpu.vector_store %arg11[%swap3A_44], %get3A_43 {strides = array<i32>} : memref<80xi32, #tpu.memory_space<vmem>>, vector<16xi32>,
    %get3A_46 = arith.index_cast %multiple_of3A_41 : i32 to index
    %get3A_47 = tpu.vector_load %arg10[%get3A_46] {strides = array<i32>} : memref<2560xf32, #tpu.memory_space<vmem>>, vector<16xf32>,
    %swap3A_48 = arith.constant 48 : index
    %swap3A_49 = tpu.vector_load %arg12[%swap3A_48] {strides = array<i32>} : memref<80xf32, #tpu.memory_space<vmem>>, vector<16xf32>,
    tpu.vector_store %arg12[%swap3A_48], %get3A_47 {strides = array<i32>} : memref<80xf32, #tpu.memory_space<vmem>>, vector<16xf32>,
    %add3A_50 = arith.constant 64 : i32
    %add3A_51 = arith.addi %mul3A_8, %add3A_50 : i32
    %multiple_of3A_52 = tpu.assume_multiple %add3A_51, 16 : i32
    %get3A_53 = arith.index_cast %multiple_of3A_52 : i32 to index
    %get3A_54 = tpu.vector_load %arg9[%get3A_53] {strides = array<i32>} : memref<2560xi32, #tpu.memory_space<vmem>>, vector<16xi32>,
    %swap3A_55 = arith.constant 64 : index
    %swap3A_56 = tpu.vector_load %arg11[%swap3A_55] {strides = array<i32>} : memref<80xi32, #tpu.memory_space<vmem>>, vector<16xi32>,
    tpu.vector_store %arg11[%swap3A_55], %get3A_54 {strides = array<i32>} : memref<80xi32, #tpu.memory_space<vmem>>, vector<16xi32>,
    %get3A_57 = arith.index_cast %multiple_of3A_52 : i32 to index
    %get3A_58 = tpu.vector_load %arg10[%get3A_57] {strides = array<i32>} : memref<2560xf32, #tpu.memory_space<vmem>>, vector<16xf32>,
    %swap3A_59 = arith.constant 64 : index
    %swap3A_60 = tpu.vector_load %arg12[%swap3A_59] {strides = array<i32>} : memref<80xf32, #tpu.memory_space<vmem>>, vector<16xf32>,
    tpu.vector_store %arg12[%swap3A_59], %get3A_58 {strides = array<i32>} : memref<80xf32, #tpu.memory_space<vmem>>, vector<16xf32>,
    %dma_start3A = arith.constant 0 : i32
    %dma_start3A_61 = arith.constant 0 : i32
    %dma_start3A_62 = tpu.memref_slice %arg2[%dma_start3A, %dma_start3A_61] : memref<2048x1024xf32, #tpu.memory_space<hbm>> -> memref<2048x1024xf32, #tpu.memory_space<hbm>>
    tpu.enqueue_indirect_dma source(%dma_start3A_62 : memref<2048x1024xf32, #tpu.memory_space<hbm>>) target(%arg13 : memref<80x1024xf32, #tpu.memory_space<vmem>>) offsets(%arg11 : memref<80xi32, #tpu.memory_space<vmem>>) semaphore(%arg14 : memref<!tpu.dma_semaphore, #tpu.memory_space<semaphore_mem>>)
    %dma_wait3A = arith.constant 0 : i32
    %dma_wait3A_63 = arith.constant 0 : i32
    %dma_wait3A_64 = tpu.memref_slice %arg2[%dma_wait3A, %dma_wait3A_63] : memref<2048x1024xf32, #tpu.memory_space<hbm>> -> memref<2048x1024xf32, #tpu.memory_space<hbm>>
    tpu.wait_indirect_dma semaphore(%arg14 : memref<!tpu.dma_semaphore, #tpu.memory_space<semaphore_mem>>) src(%dma_wait3A_64 : memref<2048x1024xf32, #tpu.memory_space<hbm>>) dst(%arg13 : memref<80x1024xf32, #tpu.memory_space<vmem>>)
    "tpu.region"() ({
      %run_scoped3A = tpu.sem_alloc : memref<!tpu.dma_semaphore, #tpu.memory_space<semaphore_mem>>
      %dma_start3A_65 = arith.constant 0 : i32
      %dma_start3A_66 = tpu.memref_slice %arg5[%mul3A_8, %dma_start3A_65] : memref<2560x1024xf32, #tpu.memory_space<hbm>> -> memref<80x1024xf32, #tpu.memory_space<hbm>>
      %dma_start3A_67 = arith.constant 0 : i32
      %dma_start3A_68 = tpu.memref_slice %arg5[%mul3A_8, %dma_start3A_67] : memref<2560x1024xf32, #tpu.memory_space<hbm>> -> memref<80x1024xf32, #tpu.memory_space<hbm>>
      tpu.enqueue_dma source(%arg13 : memref<80x1024xf32, #tpu.memory_space<vmem>>) target(%dma_start3A_68 : memref<80x1024xf32, #tpu.memory_space<hbm>>) target_semaphore(%run_scoped3A : memref<!tpu.dma_semaphore, #tpu.memory_space<semaphore_mem>>)
      %dma_wait3A_69 = arith.constant 0 : i32
      %dma_wait3A_70 = tpu.memref_slice %arg5[%mul3A_8, %dma_wait3A_69] : memref<2560x1024xf32, #tpu.memory_space<hbm>> -> memref<80x1024xf32, #tpu.memory_space<hbm>>
      %dma_wait3A_71 = arith.constant 0 : i32
      %dma_wait3A_72 = tpu.memref_slice %arg5[%mul3A_8, %dma_wait3A_71] : memref<2560x1024xf32, #tpu.memory_space<hbm>> -> memref<80x1024xf32, #tpu.memory_space<hbm>>
      tpu.wait_dma2 semaphore(%run_scoped3A : memref<!tpu.dma_semaphore, #tpu.memory_space<semaphore_mem>>) src(%arg13 : memref<80x1024xf32, #tpu.memory_space<vmem>>) dst(%dma_wait3A_72 : memref<80x1024xf32, #tpu.memory_space<hbm>>)
      tpu.yield
    }) : () -> ()
    "tpu.region"() ({
      %run_scoped3A = tpu.sem_alloc : memref<!tpu.dma_semaphore, #tpu.memory_space<semaphore_mem>>
      %dma_start3A_65 = tpu.memref_slice %arg6[%mul3A_8] : memref<2560xf32, #tpu.memory_space<hbm>> -> memref<80xf32, #tpu.memory_space<hbm>>
      %dma_start3A_66 = tpu.memref_slice %arg6[%mul3A_8] : memref<2560xf32, #tpu.memory_space<hbm>> -> memref<80xf32, #tpu.memory_space<hbm>>
      tpu.enqueue_dma source(%arg12 : memref<80xf32, #tpu.memory_space<vmem>>) target(%dma_start3A_66 : memref<80xf32, #tpu.memory_space<hbm>>) target_semaphore(%run_scoped3A : memref<!tpu.dma_semaphore, #tpu.memory_space<semaphore_mem>>)
      %dma_wait3A_67 = tpu.memref_slice %arg6[%mul3A_8] : memref<2560xf32, #tpu.memory_space<hbm>> -> memref<80xf32, #tpu.memory_space<hbm>>
      %dma_wait3A_68 = tpu.memref_slice %arg6[%mul3A_8] : memref<2560xf32, #tpu.memory_space<hbm>> -> memref<80xf32, #tpu.memory_space<hbm>>
      tpu.wait_dma2 semaphore(%run_scoped3A : memref<!tpu.dma_semaphore, #tpu.memory_space<semaphore_mem>>) src(%arg12 : memref<80xf32, #tpu.memory_space<vmem>>) dst(%dma_wait3A_68 : memref<80xf32, #tpu.memory_space<hbm>>)
      tpu.yield
    }) : () -> ()
    return
  }
}

#map = affine_map<(d0, d1) -> (0, 0)>
#map1 = affine_map<(d0, d1) -> (0)>
module attributes {stable_mosaic.version = 14 : i64} {
  func.func @_combine_body(%arg0: i32, %arg1: i32, %arg2: memref<2560x1024xf32, #tpu.memory_space<hbm>>, %arg3: memref<2048xi32, #tpu.memory_space<hbm>>, %arg4: memref<2048x1024xf32, #tpu.memory_space<hbm>>, %arg5: memref<64xi32, #tpu.memory_space<vmem>>, %arg6: memref<64x1024xf32, #tpu.memory_space<vmem>>, %arg7: memref<!tpu.dma_semaphore, #tpu.memory_space<semaphore_mem>>) attributes {dimension_semantics = [#tpu.dimension_semantics<core_parallel>, #tpu.dimension_semantics<subcore_parallel>], iteration_bounds = array<i64: 2, 16>, scalar_prefetch = 0 : i64, scratch_operands = 3 : i64, tpu.core_type = #tpu.core_type<sc_vector_subcore>, window_params = [{transform_indices = #map}, {transform_indices = #map1}, {transform_indices = #map}]} {
    %mul3A = arith.constant 2 : i32
    %mul3A_0 = arith.muli %arg1, %mul3A : i32
    %add3A = arith.addi %mul3A_0, %arg0 : i32
    %mul3A_1 = arith.constant 64 : i32
    %mul3A_2 = arith.muli %add3A, %mul3A_1 : i32
    "tpu.region"() ({
      %run_scoped3A = tpu.sem_alloc : memref<!tpu.dma_semaphore, #tpu.memory_space<semaphore_mem>>
      %dma_start3A_7 = tpu.memref_slice %arg3[%mul3A_2] : memref<2048xi32, #tpu.memory_space<hbm>> -> memref<64xi32, #tpu.memory_space<hbm>>
      %dma_start3A_8 = tpu.memref_slice %arg3[%mul3A_2] : memref<2048xi32, #tpu.memory_space<hbm>> -> memref<64xi32, #tpu.memory_space<hbm>>
      tpu.enqueue_dma source(%dma_start3A_8 : memref<64xi32, #tpu.memory_space<hbm>>) target(%arg5 : memref<64xi32, #tpu.memory_space<vmem>>) target_semaphore(%run_scoped3A : memref<!tpu.dma_semaphore, #tpu.memory_space<semaphore_mem>>)
      %dma_wait3A_9 = tpu.memref_slice %arg3[%mul3A_2] : memref<2048xi32, #tpu.memory_space<hbm>> -> memref<64xi32, #tpu.memory_space<hbm>>
      %dma_wait3A_10 = tpu.memref_slice %arg3[%mul3A_2] : memref<2048xi32, #tpu.memory_space<hbm>> -> memref<64xi32, #tpu.memory_space<hbm>>
      tpu.wait_dma2 semaphore(%run_scoped3A : memref<!tpu.dma_semaphore, #tpu.memory_space<semaphore_mem>>) src(%dma_wait3A_10 : memref<64xi32, #tpu.memory_space<hbm>>) dst(%arg5 : memref<64xi32, #tpu.memory_space<vmem>>)
      tpu.yield
    }) : () -> ()
    %dma_start3A = arith.constant 0 : i32
    %dma_start3A_3 = arith.constant 0 : i32
    %dma_start3A_4 = tpu.memref_slice %arg2[%dma_start3A, %dma_start3A_3] : memref<2560x1024xf32, #tpu.memory_space<hbm>> -> memref<2560x1024xf32, #tpu.memory_space<hbm>>
    tpu.enqueue_indirect_dma source(%dma_start3A_4 : memref<2560x1024xf32, #tpu.memory_space<hbm>>) target(%arg6 : memref<64x1024xf32, #tpu.memory_space<vmem>>) offsets(%arg5 : memref<64xi32, #tpu.memory_space<vmem>>) semaphore(%arg7 : memref<!tpu.dma_semaphore, #tpu.memory_space<semaphore_mem>>)
    %dma_wait3A = arith.constant 0 : i32
    %dma_wait3A_5 = arith.constant 0 : i32
    %dma_wait3A_6 = tpu.memref_slice %arg2[%dma_wait3A, %dma_wait3A_5] : memref<2560x1024xf32, #tpu.memory_space<hbm>> -> memref<2560x1024xf32, #tpu.memory_space<hbm>>
    tpu.wait_indirect_dma semaphore(%arg7 : memref<!tpu.dma_semaphore, #tpu.memory_space<semaphore_mem>>) src(%dma_wait3A_6 : memref<2560x1024xf32, #tpu.memory_space<hbm>>) dst(%arg6 : memref<64x1024xf32, #tpu.memory_space<vmem>>)
    "tpu.region"() ({
      %run_scoped3A = tpu.sem_alloc : memref<!tpu.dma_semaphore, #tpu.memory_space<semaphore_mem>>
      %dma_start3A_7 = arith.constant 0 : i32
      %dma_start3A_8 = tpu.memref_slice %arg4[%mul3A_2, %dma_start3A_7] : memref<2048x1024xf32, #tpu.memory_space<hbm>> -> memref<64x1024xf32, #tpu.memory_space<hbm>>
      %dma_start3A_9 = arith.constant 0 : i32
      %dma_start3A_10 = tpu.memref_slice %arg4[%mul3A_2, %dma_start3A_9] : memref<2048x1024xf32, #tpu.memory_space<hbm>> -> memref<64x1024xf32, #tpu.memory_space<hbm>>
      tpu.enqueue_dma source(%arg6 : memref<64x1024xf32, #tpu.memory_space<vmem>>) target(%dma_start3A_10 : memref<64x1024xf32, #tpu.memory_space<hbm>>) target_semaphore(%run_scoped3A : memref<!tpu.dma_semaphore, #tpu.memory_space<semaphore_mem>>)
      %dma_wait3A_11 = arith.constant 0 : i32
      %dma_wait3A_12 = tpu.memref_slice %arg4[%mul3A_2, %dma_wait3A_11] : memref<2048x1024xf32, #tpu.memory_space<hbm>> -> memref<64x1024xf32, #tpu.memory_space<hbm>>
      %dma_wait3A_13 = arith.constant 0 : i32
      %dma_wait3A_14 = tpu.memref_slice %arg4[%mul3A_2, %dma_wait3A_13] : memref<2048x1024xf32, #tpu.memory_space<hbm>> -> memref<64x1024xf32, #tpu.memory_space<hbm>>
      tpu.wait_dma2 semaphore(%run_scoped3A : memref<!tpu.dma_semaphore, #tpu.memory_space<semaphore_mem>>) src(%arg6 : memref<64x1024xf32, #tpu.memory_space<vmem>>) dst(%dma_wait3A_14 : memref<64x1024xf32, #tpu.memory_space<hbm>>)
      tpu.yield
    }) : () -> ()
    return
  }
}

module attributes {stable_mosaic.version = 14 : i64} {
  func.func @_ffn_body(%arg0: i32, %arg1: i32, %arg2: memref<160x1024xf32, #tpu.memory_space<vmem>>, %arg3: memref<1x1024x1024xf32, #tpu.memory_space<vmem>>, %arg4: memref<1x1024x1024xf32, #tpu.memory_space<vmem>>, %arg5: memref<1x1024x1024xf32, #tpu.memory_space<vmem>>, %arg6: memref<160x1xf32, #tpu.memory_space<vmem>>, %arg7: memref<160x1024xf32, #tpu.memory_space<vmem>>) attributes {dimension_semantics = [#tpu.dimension_semantics<arbitrary>, #tpu.dimension_semantics<arbitrary>], iteration_bounds = array<i64: 16, 2>, scalar_prefetch = 0 : i64, scratch_operands = 0 : i64, tpu.core_type = #tpu.core_type<tc>, window_params = [{transform_indices = @transform_0, window_bounds = array<i64: 160, 1024>}, {transform_indices = @transform_1, window_bounds = array<i64: 1, 1024, 1024>}, {transform_indices = @transform_2, window_bounds = array<i64: 1, 1024, 1024>}, {transform_indices = @transform_3, window_bounds = array<i64: 1, 1024, 1024>}, {transform_indices = @transform_4, window_bounds = array<i64: 160, 1>}, {transform_indices = @transform_5, window_bounds = array<i64: 160, 1024>}]} {
    %get3A = arith.constant 0 : index
    %get3A_0 = arith.constant 0 : index
    %get3A_1 = vector.load %arg2[%get3A, %get3A_0] : memref<160x1024xf32, #tpu.memory_space<vmem>>, vector<160x1024xf32>
    %get3A_2 = arith.constant 0 : index
    %get3A_3 = arith.constant 0 : index
    %get3A_4 = arith.constant 0 : index
    %get3A_5 = vector.load %arg3[%get3A_2, %get3A_3, %get3A_4] : memref<1x1024x1024xf32, #tpu.memory_space<vmem>>, vector<1x1024x1024xf32>
    %get3A_6 = vector.shape_cast %get3A_5 : vector<1x1024x1024xf32> to vector<1024x1024xf32>
    %get3A_7 = arith.constant 0 : index
    %get3A_8 = arith.constant 0 : index
    %get3A_9 = arith.constant 0 : index
    %get3A_10 = vector.load %arg4[%get3A_7, %get3A_8, %get3A_9] : memref<1x1024x1024xf32, #tpu.memory_space<vmem>>, vector<1x1024x1024xf32>
    %get3A_11 = vector.shape_cast %get3A_10 : vector<1x1024x1024xf32> to vector<1024x1024xf32>
    %get3A_12 = arith.constant 0 : index
    %get3A_13 = arith.constant 0 : index
    %get3A_14 = arith.constant 0 : index
    %get3A_15 = vector.load %arg5[%get3A_12, %get3A_13, %get3A_14] : memref<1x1024x1024xf32, #tpu.memory_space<vmem>>, vector<1x1024x1024xf32>
    %get3A_16 = vector.shape_cast %get3A_15 : vector<1x1024x1024xf32> to vector<1024x1024xf32>
    %dot_general3A = arith.constant dense<0.000000e+00> : vector<160x1024xf32>
    %dot_general3A_17 = tpu.matmul %get3A_1, %get3A_6, %dot_general3A {dimension_numbers = #tpu.dot_dimension_numbers<[1], [1], [0], [0], [0, 0, 1, 0], [], []>, transpose_lhs_hint = false} : vector<160x1024xf32>, vector<1024x1024xf32>, vector<160x1024xf32> -> vector<160x1024xf32>
    %dot_general3A_18 = arith.constant dense<0.000000e+00> : vector<160x1024xf32>
    %dot_general3A_19 = tpu.matmul %get3A_1, %get3A_11, %dot_general3A_18 {dimension_numbers = #tpu.dot_dimension_numbers<[1], [1], [0], [0], [0, 0, 1, 0], [], []>, transpose_lhs_hint = false} : vector<160x1024xf32>, vector<1024x1024xf32>, vector<160x1024xf32> -> vector<160x1024xf32>
    %neg3A = arith.constant 0.000000e+00 : f32
    %neg3A_20 = vector.broadcast %neg3A : f32 to vector<160x1024xf32>
    %neg3A_21 = arith.subf %neg3A_20, %dot_general3A_17 : vector<160x1024xf32>
    %exp3A = math.exp %neg3A_21 : vector<160x1024xf32>
    %add3A = arith.constant 1.000000e+00 : f32
    %add3A_22 = vector.broadcast %add3A : f32 to vector<160x1024xf32>
    %add3A_23 = arith.addf %add3A_22, %exp3A : vector<160x1024xf32>
    %div3A = arith.divf %dot_general3A_17, %add3A_23 : vector<160x1024xf32>
    %mul3A = arith.mulf %div3A, %dot_general3A_19 : vector<160x1024xf32>
    %dot_general3A_24 = arith.constant dense<0.000000e+00> : vector<160x1024xf32>
    %dot_general3A_25 = tpu.matmul %mul3A, %get3A_16, %dot_general3A_24 {dimension_numbers = #tpu.dot_dimension_numbers<[1], [1], [0], [0], [0, 0, 1, 0], [], []>, transpose_lhs_hint = false} : vector<160x1024xf32>, vector<1024x1024xf32>, vector<160x1024xf32> -> vector<160x1024xf32>
    %eq3A = arith.constant 0 : i32
    %eq3A_26 = arith.cmpi eq, %arg1, %eq3A : i32
    %convert_element_type3A = arith.extui %eq3A_26 : i1 to i32
    %cond3A = arith.constant 0 : i32
    %cond3A_27 = arith.cmpi ne, %convert_element_type3A, %cond3A : i32
    scf.if %cond3A_27 {
      %swap3A = arith.constant 0 : index
      %swap3A_38 = arith.constant 0 : index
      %swap3A_39 = vector.load %arg7[%swap3A, %swap3A_38] : memref<160x1024xf32, #tpu.memory_space<vmem>>, vector<160x1024xf32>
      tpu.vector_store %arg7[%swap3A, %swap3A_38], %dot_general3A_25 {strides = array<i32>} : memref<160x1024xf32, #tpu.memory_space<vmem>>, vector<160x1024xf32>,
    } else {
    }
    %gt3A = arith.constant 0 : i32
    %gt3A_28 = arith.cmpi sgt, %arg1, %gt3A : i32
    %lt3A = arith.constant 1 : i32
    %lt3A_29 = arith.cmpi slt, %arg1, %lt3A : i32
    %and3A = arith.andi %gt3A_28, %lt3A_29 : i1
    %convert_element_type3A_30 = arith.extui %and3A : i1 to i32
    %cond3A_31 = arith.constant 0 : i32
    %cond3A_32 = arith.cmpi ne, %convert_element_type3A_30, %cond3A_31 : i32
    scf.if %cond3A_32 {
      %get3A_38 = arith.constant 0 : index
      %get3A_39 = arith.constant 0 : index
      %get3A_40 = vector.load %arg7[%get3A_38, %get3A_39] : memref<160x1024xf32, #tpu.memory_space<vmem>>, vector<160x1024xf32>
      %add3A_41 = arith.addf %get3A_40, %dot_general3A_25 : vector<160x1024xf32>
      %swap3A = arith.constant 0 : index
      %swap3A_42 = arith.constant 0 : index
      %swap3A_43 = vector.load %arg7[%swap3A, %swap3A_42] : memref<160x1024xf32, #tpu.memory_space<vmem>>, vector<160x1024xf32>
      tpu.vector_store %arg7[%swap3A, %swap3A_42], %add3A_41 {strides = array<i32>} : memref<160x1024xf32, #tpu.memory_space<vmem>>, vector<160x1024xf32>,
    } else {
    }
    %eq3A_33 = arith.constant 1 : i32
    %eq3A_34 = arith.cmpi eq, %arg1, %eq3A_33 : i32
    %convert_element_type3A_35 = arith.extui %eq3A_34 : i1 to i32
    %cond3A_36 = arith.constant 0 : i32
    %cond3A_37 = arith.cmpi ne, %convert_element_type3A_35, %cond3A_36 : i32
    scf.if %cond3A_37 {
      %get3A_38 = arith.constant 0 : index
      %get3A_39 = arith.constant 0 : index
      %get3A_40 = vector.load %arg7[%get3A_38, %get3A_39] : memref<160x1024xf32, #tpu.memory_space<vmem>>, vector<160x1024xf32>
      %add3A_41 = arith.addf %get3A_40, %dot_general3A_25 : vector<160x1024xf32>
      %get3A_42 = arith.constant 0 : index
      %get3A_43 = arith.constant 0 : index
      %get3A_44 = vector.load %arg6[%get3A_42, %get3A_43] : memref<160x1xf32, #tpu.memory_space<vmem>>, vector<160x1xf32>
      %mul3A_45 = vector.broadcast %get3A_44 : vector<160x1xf32> to vector<160x1024xf32>
      %mul3A_46 = arith.mulf %add3A_41, %mul3A_45 : vector<160x1024xf32>
      %swap3A = arith.constant 0 : index
      %swap3A_47 = arith.constant 0 : index
      %swap3A_48 = vector.load %arg7[%swap3A, %swap3A_47] : memref<160x1024xf32, #tpu.memory_space<vmem>>, vector<160x1024xf32>
      tpu.vector_store %arg7[%swap3A, %swap3A_47], %mul3A_46 {strides = array<i32>} : memref<160x1024xf32, #tpu.memory_space<vmem>>, vector<160x1024xf32>,
    } else {
    }
    return
  }
  func.func @transform_0(%arg0: i32, %arg1: i32) -> (i32, i32) {
    %c0_i32 = arith.constant 0 : i32
    %c0_i32_0 = arith.constant 0 : i32
    return %arg0, %c0_i32 : i32, i32
  }
  func.func @transform_1(%arg0: i32, %arg1: i32) -> (i32, i32, i32) {
    %c0_i32 = arith.constant 0 : i32
    %c0_i32_0 = arith.constant 0 : i32
    return %arg0, %arg1, %c0_i32 : i32, i32, i32
  }
  func.func @transform_2(%arg0: i32, %arg1: i32) -> (i32, i32, i32) {
    %c0_i32 = arith.constant 0 : i32
    %c0_i32_0 = arith.constant 0 : i32
    return %arg0, %arg1, %c0_i32 : i32, i32, i32
  }
  func.func @transform_3(%arg0: i32, %arg1: i32) -> (i32, i32, i32) {
    %c0_i32 = arith.constant 0 : i32
    %c0_i32_0 = arith.constant 0 : i32
    return %arg0, %c0_i32, %arg1 : i32, i32, i32
  }
  func.func @transform_4(%arg0: i32, %arg1: i32) -> (i32, i32) {
    %c0_i32 = arith.constant 0 : i32
    %c0_i32_0 = arith.constant 0 : i32
    return %arg0, %c0_i32 : i32, i32
  }
  func.func @transform_5(%arg0: i32, %arg1: i32) -> (i32, i32) {
    %c0_i32 = arith.constant 0 : i32
    %c0_i32_0 = arith.constant 0 : i32
    return %arg0, %c0_i32 : i32, i32
  }
}

module attributes {stable_mosaic.version = 14 : i64} {
  func.func @_router_body(%arg0: memref<2048x1024xf32, #tpu.memory_space<vmem>>, %arg1: memref<16x1024xf32, #tpu.memory_space<vmem>>, %arg2: memref<1x2048xi32, #tpu.memory_space<vmem>>, %arg3: memref<1x2048xi32, #tpu.memory_space<vmem>>, %arg4: memref<1x2048xf32, #tpu.memory_space<vmem>>) attributes {dimension_semantics = [], scalar_prefetch = 0 : i64, scratch_operands = 0 : i64, tpu.core_type = #tpu.core_type<tc>} {
    %get3A = arith.constant 0 : index
    %get3A_0 = arith.constant 0 : index
    %get3A_1 = vector.load %arg0[%get3A, %get3A_0] : memref<2048x1024xf32, #tpu.memory_space<vmem>>, vector<2048x1024xf32>
    %get3A_2 = arith.constant 0 : index
    %get3A_3 = arith.constant 0 : index
    %get3A_4 = vector.load %arg1[%get3A_2, %get3A_3] : memref<16x1024xf32, #tpu.memory_space<vmem>>, vector<16x1024xf32>
    %dot_general3A = arith.constant dense<0.000000e+00> : vector<16x2048xf32>
    %dot_general3A_5 = tpu.matmul %get3A_4, %get3A_1, %dot_general3A {dimension_numbers = #tpu.dot_dimension_numbers<[1], [1], [0], [0], [0, 0, 1, 0], [], []>, transpose_lhs_hint = false} : vector<16x1024xf32>, vector<2048x1024xf32>, vector<16x2048xf32> -> vector<16x2048xf32>
    %reduce_max3A = arith.constant dense<0xFF800000> : vector<2048xf32>
    %reduce_max3A_6 = vector.multi_reduction <maximumf>, %dot_general3A_5, %reduce_max3A [0] : vector<16x2048xf32> to vector<2048xf32>
    %broadcast_in_dim3A = vector.shape_cast %reduce_max3A_6 : vector<2048xf32> to vector<1x2048xf32>
    %sub3A = vector.broadcast %broadcast_in_dim3A : vector<1x2048xf32> to vector<16x2048xf32>
    %sub3A_7 = arith.subf %dot_general3A_5, %sub3A : vector<16x2048xf32>
    %exp3A = math.exp %sub3A_7 : vector<16x2048xf32>
    %reduce_sum3A = arith.constant dense<0.000000e+00> : vector<2048xf32>
    %reduce_sum3A_8 = vector.multi_reduction <add>, %exp3A, %reduce_sum3A [0] : vector<16x2048xf32> to vector<2048xf32>
    %broadcast_in_dim3A_9 = vector.shape_cast %reduce_sum3A_8 : vector<2048xf32> to vector<1x2048xf32>
    %div3A = arith.constant 1.000000e+00 : f32
    %div3A_10 = vector.broadcast %div3A : f32 to vector<1x2048xf32>
    %div3A_11 = arith.divf %div3A_10, %broadcast_in_dim3A_9 : vector<1x2048xf32>
    %add3A = arith.constant 9.99999971E-10 : f32
    %add3A_12 = vector.broadcast %add3A : f32 to vector<1x2048xf32>
    %add3A_13 = arith.addf %div3A_11, %add3A_12 : vector<1x2048xf32>
    %div3A_14 = arith.divf %div3A_11, %add3A_13 : vector<1x2048xf32>
    %iota3A = tpu.iota {dimensions = array<i32: 0>} : vector<16x2048xi32>
    %eq3A = vector.broadcast %broadcast_in_dim3A : vector<1x2048xf32> to vector<16x2048xf32>
    %eq3A_15 = arith.cmpf oeq, %dot_general3A_5, %eq3A : vector<16x2048xf32>
    %jit3A = arith.constant 16 : i32
    %broadcast_in_dim3A_16 = vector.broadcast %jit3A : i32 to vector<16x2048xi32>
    %select_n3A = arith.select %eq3A_15, %iota3A, %broadcast_in_dim3A_16 : vector<16x2048xi1>, vector<16x2048xi32>
    %reduce_min3A = arith.constant dense<2147483647> : vector<2048xi32>
    %reduce_min3A_17 = vector.multi_reduction <minsi>, %select_n3A, %reduce_min3A [0] : vector<16x2048xi32> to vector<2048xi32>
    %broadcast_in_dim3A_18 = vector.shape_cast %reduce_min3A_17 : vector<2048xi32> to vector<1x2048xi32>
    %eq3A_19 = vector.broadcast %broadcast_in_dim3A_18 : vector<1x2048xi32> to vector<16x2048xi32>
    %eq3A_20 = arith.cmpi eq, %iota3A, %eq3A_19 : vector<16x2048xi32>
    %convert_element_type3A = arith.extui %eq3A_20 : vector<16x2048xi1> to vector<16x2048xi32>
    %convert_element_type3A_21 = arith.sitofp %convert_element_type3A : vector<16x2048xi32> to vector<16x2048xf32>
    %iota3A_22 = tpu.iota {dimensions = array<i32: 1>} : vector<16x2048xi32>
    %roll3A = arith.constant 1 : i32
    %roll3A_23 = tpu.dynamic_rotate %convert_element_type3A_21 by %roll3A dim 1 : vector<16x2048xf32>, i32 -> vector<16x2048xf32>
    %ge3A = arith.constant 1 : i32
    %ge3A_24 = vector.broadcast %ge3A : i32 to vector<16x2048xi32>
    %ge3A_25 = arith.cmpi sge, %iota3A_22, %ge3A_24 : vector<16x2048xi32>
    %jit3A_26 = arith.constant 0.000000e+00 : f32
    %broadcast_in_dim3A_27 = vector.broadcast %jit3A_26 : f32 to vector<16x2048xf32>
    %select_n3A_28 = arith.select %ge3A_25, %roll3A_23, %broadcast_in_dim3A_27 : vector<16x2048xi1>, vector<16x2048xf32>
    %add3A_29 = arith.addf %convert_element_type3A_21, %select_n3A_28 : vector<16x2048xf32>
    %roll3A_30 = arith.constant 2 : i32
    %roll3A_31 = tpu.dynamic_rotate %add3A_29 by %roll3A_30 dim 1 : vector<16x2048xf32>, i32 -> vector<16x2048xf32>
    %ge3A_32 = arith.constant 2 : i32
    %ge3A_33 = vector.broadcast %ge3A_32 : i32 to vector<16x2048xi32>
    %ge3A_34 = arith.cmpi sge, %iota3A_22, %ge3A_33 : vector<16x2048xi32>
    %jit3A_35 = arith.constant 0.000000e+00 : f32
    %broadcast_in_dim3A_36 = vector.broadcast %jit3A_35 : f32 to vector<16x2048xf32>
    %select_n3A_37 = arith.select %ge3A_34, %roll3A_31, %broadcast_in_dim3A_36 : vector<16x2048xi1>, vector<16x2048xf32>
    %add3A_38 = arith.addf %add3A_29, %select_n3A_37 : vector<16x2048xf32>
    %roll3A_39 = arith.constant 4 : i32
    %roll3A_40 = tpu.dynamic_rotate %add3A_38 by %roll3A_39 dim 1 : vector<16x2048xf32>, i32 -> vector<16x2048xf32>
    %ge3A_41 = arith.constant 4 : i32
    %ge3A_42 = vector.broadcast %ge3A_41 : i32 to vector<16x2048xi32>
    %ge3A_43 = arith.cmpi sge, %iota3A_22, %ge3A_42 : vector<16x2048xi32>
    %jit3A_44 = arith.constant 0.000000e+00 : f32
    %broadcast_in_dim3A_45 = vector.broadcast %jit3A_44 : f32 to vector<16x2048xf32>
    %select_n3A_46 = arith.select %ge3A_43, %roll3A_40, %broadcast_in_dim3A_45 : vector<16x2048xi1>, vector<16x2048xf32>
    %add3A_47 = arith.addf %add3A_38, %select_n3A_46 : vector<16x2048xf32>
    %roll3A_48 = arith.constant 8 : i32
    %roll3A_49 = tpu.dynamic_rotate %add3A_47 by %roll3A_48 dim 1 : vector<16x2048xf32>, i32 -> vector<16x2048xf32>
    %ge3A_50 = arith.constant 8 : i32
    %ge3A_51 = vector.broadcast %ge3A_50 : i32 to vector<16x2048xi32>
    %ge3A_52 = arith.cmpi sge, %iota3A_22, %ge3A_51 : vector<16x2048xi32>
    %jit3A_53 = arith.constant 0.000000e+00 : f32
    %broadcast_in_dim3A_54 = vector.broadcast %jit3A_53 : f32 to vector<16x2048xf32>
    %select_n3A_55 = arith.select %ge3A_52, %roll3A_49, %broadcast_in_dim3A_54 : vector<16x2048xi1>, vector<16x2048xf32>
    %add3A_56 = arith.addf %add3A_47, %select_n3A_55 : vector<16x2048xf32>
    %roll3A_57 = arith.constant 16 : i32
    %roll3A_58 = tpu.dynamic_rotate %add3A_56 by %roll3A_57 dim 1 : vector<16x2048xf32>, i32 -> vector<16x2048xf32>
    %ge3A_59 = arith.constant 16 : i32
    %ge3A_60 = vector.broadcast %ge3A_59 : i32 to vector<16x2048xi32>
    %ge3A_61 = arith.cmpi sge, %iota3A_22, %ge3A_60 : vector<16x2048xi32>
    %jit3A_62 = arith.constant 0.000000e+00 : f32
    %broadcast_in_dim3A_63 = vector.broadcast %jit3A_62 : f32 to vector<16x2048xf32>
    %select_n3A_64 = arith.select %ge3A_61, %roll3A_58, %broadcast_in_dim3A_63 : vector<16x2048xi1>, vector<16x2048xf32>
    %add3A_65 = arith.addf %add3A_56, %select_n3A_64 : vector<16x2048xf32>
    %roll3A_66 = arith.constant 32 : i32
    %roll3A_67 = tpu.dynamic_rotate %add3A_65 by %roll3A_66 dim 1 : vector<16x2048xf32>, i32 -> vector<16x2048xf32>
    %ge3A_68 = arith.constant 32 : i32
    %ge3A_69 = vector.broadcast %ge3A_68 : i32 to vector<16x2048xi32>
    %ge3A_70 = arith.cmpi sge, %iota3A_22, %ge3A_69 : vector<16x2048xi32>
    %jit3A_71 = arith.constant 0.000000e+00 : f32
    %broadcast_in_dim3A_72 = vector.broadcast %jit3A_71 : f32 to vector<16x2048xf32>
    %select_n3A_73 = arith.select %ge3A_70, %roll3A_67, %broadcast_in_dim3A_72 : vector<16x2048xi1>, vector<16x2048xf32>
    %add3A_74 = arith.addf %add3A_65, %select_n3A_73 : vector<16x2048xf32>
    %roll3A_75 = arith.constant 64 : i32
    %roll3A_76 = tpu.dynamic_rotate %add3A_74 by %roll3A_75 dim 1 : vector<16x2048xf32>, i32 -> vector<16x2048xf32>
    %ge3A_77 = arith.constant 64 : i32
    %ge3A_78 = vector.broadcast %ge3A_77 : i32 to vector<16x2048xi32>
    %ge3A_79 = arith.cmpi sge, %iota3A_22, %ge3A_78 : vector<16x2048xi32>
    %jit3A_80 = arith.constant 0.000000e+00 : f32
    %broadcast_in_dim3A_81 = vector.broadcast %jit3A_80 : f32 to vector<16x2048xf32>
    %select_n3A_82 = arith.select %ge3A_79, %roll3A_76, %broadcast_in_dim3A_81 : vector<16x2048xi1>, vector<16x2048xf32>
    %add3A_83 = arith.addf %add3A_74, %select_n3A_82 : vector<16x2048xf32>
    %roll3A_84 = arith.constant 128 : i32
    %roll3A_85 = tpu.dynamic_rotate %add3A_83 by %roll3A_84 dim 1 : vector<16x2048xf32>, i32 -> vector<16x2048xf32>
    %ge3A_86 = arith.constant 128 : i32
    %ge3A_87 = vector.broadcast %ge3A_86 : i32 to vector<16x2048xi32>
    %ge3A_88 = arith.cmpi sge, %iota3A_22, %ge3A_87 : vector<16x2048xi32>
    %jit3A_89 = arith.constant 0.000000e+00 : f32
    %broadcast_in_dim3A_90 = vector.broadcast %jit3A_89 : f32 to vector<16x2048xf32>
    %select_n3A_91 = arith.select %ge3A_88, %roll3A_85, %broadcast_in_dim3A_90 : vector<16x2048xi1>, vector<16x2048xf32>
    %add3A_92 = arith.addf %add3A_83, %select_n3A_91 : vector<16x2048xf32>
    %roll3A_93 = arith.constant 256 : i32
    %roll3A_94 = tpu.dynamic_rotate %add3A_92 by %roll3A_93 dim 1 : vector<16x2048xf32>, i32 -> vector<16x2048xf32>
    %ge3A_95 = arith.constant 256 : i32
    %ge3A_96 = vector.broadcast %ge3A_95 : i32 to vector<16x2048xi32>
    %ge3A_97 = arith.cmpi sge, %iota3A_22, %ge3A_96 : vector<16x2048xi32>
    %jit3A_98 = arith.constant 0.000000e+00 : f32
    %broadcast_in_dim3A_99 = vector.broadcast %jit3A_98 : f32 to vector<16x2048xf32>
    %select_n3A_100 = arith.select %ge3A_97, %roll3A_94, %broadcast_in_dim3A_99 : vector<16x2048xi1>, vector<16x2048xf32>
    %add3A_101 = arith.addf %add3A_92, %select_n3A_100 : vector<16x2048xf32>
    %roll3A_102 = arith.constant 512 : i32
    %roll3A_103 = tpu.dynamic_rotate %add3A_101 by %roll3A_102 dim 1 : vector<16x2048xf32>, i32 -> vector<16x2048xf32>
    %ge3A_104 = arith.constant 512 : i32
    %ge3A_105 = vector.broadcast %ge3A_104 : i32 to vector<16x2048xi32>
    %ge3A_106 = arith.cmpi sge, %iota3A_22, %ge3A_105 : vector<16x2048xi32>
    %jit3A_107 = arith.constant 0.000000e+00 : f32
    %broadcast_in_dim3A_108 = vector.broadcast %jit3A_107 : f32 to vector<16x2048xf32>
    %select_n3A_109 = arith.select %ge3A_106, %roll3A_103, %broadcast_in_dim3A_108 : vector<16x2048xi1>, vector<16x2048xf32>
    %add3A_110 = arith.addf %add3A_101, %select_n3A_109 : vector<16x2048xf32>
    %roll3A_111 = arith.constant 1024 : i32
    %roll3A_112 = tpu.dynamic_rotate %add3A_110 by %roll3A_111 dim 1 : vector<16x2048xf32>, i32 -> vector<16x2048xf32>
    %ge3A_113 = arith.constant 1024 : i32
    %ge3A_114 = vector.broadcast %ge3A_113 : i32 to vector<16x2048xi32>
    %ge3A_115 = arith.cmpi sge, %iota3A_22, %ge3A_114 : vector<16x2048xi32>
    %jit3A_116 = arith.constant 0.000000e+00 : f32
    %broadcast_in_dim3A_117 = vector.broadcast %jit3A_116 : f32 to vector<16x2048xf32>
    %select_n3A_118 = arith.select %ge3A_115, %roll3A_112, %broadcast_in_dim3A_117 : vector<16x2048xi1>, vector<16x2048xf32>
    %add3A_119 = arith.addf %add3A_110, %select_n3A_118 : vector<16x2048xf32>
    %mul3A = arith.mulf %convert_element_type3A_21, %add3A_119 : vector<16x2048xf32>
    %reduce_sum3A_120 = arith.constant dense<0.000000e+00> : vector<2048xf32>
    %reduce_sum3A_121 = vector.multi_reduction <add>, %mul3A, %reduce_sum3A_120 [0] : vector<16x2048xf32> to vector<2048xf32>
    %broadcast_in_dim3A_122 = vector.shape_cast %reduce_sum3A_121 : vector<2048xf32> to vector<1x2048xf32>
    %sub3A_123 = arith.constant 1.000000e+00 : f32
    %sub3A_124 = vector.broadcast %sub3A_123 : f32 to vector<1x2048xf32>
    %sub3A_125 = arith.subf %broadcast_in_dim3A_122, %sub3A_124 : vector<1x2048xf32>
    %convert_element_type3A_126 = arith.fptosi %sub3A_125 : vector<1x2048xf32> to vector<1x2048xi32>
    %slice3A = vector.extract_strided_slice %add3A_119 {offsets = [0, 2047], sizes = [16, 1], strides = [1, 1]} : vector<16x2048xf32> to vector<16x1xf32>
    %convert_element_type3A_127 = arith.fptosi %slice3A : vector<16x1xf32> to vector<16x1xi32>
    %iota3A_128 = tpu.iota {dimensions = array<i32: 0>} : vector<16x1xi32>
    %lt3A = arith.constant 160 : i32
    %lt3A_129 = vector.broadcast %lt3A : i32 to vector<16x1xi32>
    %lt3A_130 = arith.cmpi slt, %convert_element_type3A_127, %lt3A_129 : vector<16x1xi32>
    %jit3A_131 = arith.constant 16 : i32
    %broadcast_in_dim3A_132 = vector.broadcast %jit3A_131 : i32 to vector<16x1xi32>
    %select_n3A_133 = arith.select %lt3A_130, %iota3A_128, %broadcast_in_dim3A_132 : vector<16x1xi1>, vector<16x1xi32>
    %reduce_min3A_134 = arith.constant dense<2147483647> : vector<1xi32>
    %reduce_min3A_135 = vector.multi_reduction <minsi>, %select_n3A_133, %reduce_min3A_134 [0] : vector<16x1xi32> to vector<1xi32>
    %broadcast_in_dim3A_136 = vector.shape_cast %reduce_min3A_135 : vector<1xi32> to vector<1x1xi32>
    %eq3A_137 = vector.broadcast %broadcast_in_dim3A_136 : vector<1x1xi32> to vector<16x1xi32>
    %eq3A_138 = arith.cmpi eq, %iota3A_128, %eq3A_137 : vector<16x1xi32>
    %jit3A_139 = arith.constant 0 : i32
    %broadcast_in_dim3A_140 = vector.broadcast %jit3A_139 : i32 to vector<16x1xi32>
    %select_n3A_141 = arith.select %eq3A_138, %convert_element_type3A_127, %broadcast_in_dim3A_140 : vector<16x1xi1>, vector<16x1xi32>
    %reduce_sum3A_142 = arith.constant dense<0> : vector<1xi32>
    %reduce_sum3A_143 = vector.multi_reduction <add>, %select_n3A_141, %reduce_sum3A_142 [0] : vector<16x1xi32> to vector<1xi32>
    %broadcast_in_dim3A_144 = vector.shape_cast %reduce_sum3A_143 : vector<1xi32> to vector<1x1xi32>
    %mul3A_145 = arith.constant 160 : i32
    %mul3A_146 = vector.broadcast %mul3A_145 : i32 to vector<1x1xi32>
    %mul3A_147 = arith.muli %broadcast_in_dim3A_136, %mul3A_146 : vector<1x1xi32>
    %add3A_148 = arith.addi %mul3A_147, %broadcast_in_dim3A_144 : vector<1x1xi32>
    %lt3A_149 = arith.constant 160 : i32
    %lt3A_150 = vector.broadcast %lt3A_149 : i32 to vector<1x2048xi32>
    %lt3A_151 = arith.cmpi slt, %convert_element_type3A_126, %lt3A_150 : vector<1x2048xi32>
    %mul3A_152 = arith.constant 160 : i32
    %mul3A_153 = vector.broadcast %mul3A_152 : i32 to vector<1x2048xi32>
    %mul3A_154 = arith.muli %broadcast_in_dim3A_18, %mul3A_153 : vector<1x2048xi32>
    %add3A_155 = arith.addi %mul3A_154, %convert_element_type3A_126 : vector<1x2048xi32>
    %jit3A_156 = arith.constant 2560 : i32
    %broadcast_in_dim3A_157 = vector.broadcast %jit3A_156 : i32 to vector<1x2048xi32>
    %select_n3A_158 = arith.select %lt3A_151, %add3A_155, %broadcast_in_dim3A_157 : vector<1x2048xi1>, vector<1x2048xi32>
    %swap3A = arith.constant 0 : index
    %swap3A_159 = arith.constant 0 : index
    %swap3A_160 = vector.load %arg2[%swap3A, %swap3A_159] : memref<1x2048xi32, #tpu.memory_space<vmem>>, vector<1x2048xi32>
    tpu.vector_store %arg2[%swap3A, %swap3A_159], %select_n3A_158 {strides = array<i32>} : memref<1x2048xi32, #tpu.memory_space<vmem>>, vector<1x2048xi32>,
    %broadcast_in_dim3A_161 = vector.shape_cast %add3A_148 : vector<1x1xi32> to vector<1x1xi32>
    %broadcast_in_dim3A_162 = vector.broadcast %broadcast_in_dim3A_161 : vector<1x1xi32> to vector<1x2048xi32>
    %select_n3A_163 = arith.select %lt3A_151, %add3A_155, %broadcast_in_dim3A_162 : vector<1x2048xi1>, vector<1x2048xi32>
    %swap3A_164 = arith.constant 0 : index
    %swap3A_165 = arith.constant 0 : index
    %swap3A_166 = vector.load %arg3[%swap3A_164, %swap3A_165] : memref<1x2048xi32, #tpu.memory_space<vmem>>, vector<1x2048xi32>
    tpu.vector_store %arg3[%swap3A_164, %swap3A_165], %select_n3A_163 {strides = array<i32>} : memref<1x2048xi32, #tpu.memory_space<vmem>>, vector<1x2048xi32>,
    %swap3A_167 = arith.constant 0 : index
    %swap3A_168 = arith.constant 0 : index
    %swap3A_169 = vector.load %arg4[%swap3A_167, %swap3A_168] : memref<1x2048xf32, #tpu.memory_space<vmem>>, vector<1x2048xf32>
    tpu.vector_store %arg4[%swap3A_167, %swap3A_168], %div3A_14 {strides = array<i32>} : memref<1x2048xf32, #tpu.memory_space<vmem>>, vector<1x2048xf32>,
    return
  }
}

</mosaic_0001>

<sc_bundles>
// kernel: kernel.6.cloned.1.call-start
scs
__scs_entry_jumppad:
0x0: {  	(pc) =	sbr.rel $0x88, $3  }
0x1: {  	(tag) =	ssettag $0x0;
	lr =	simm.s32 $0x1  }
0x2: {  	[smem:$0x3F9C] =	sst lr;
	_ =	strace $0xD0000000  }
0x3: {  	_ = 	snop  }
0x4: {  	_ = 	snop  }
0x5: {  	_ = 	snop  }
0x6: {  	_ = 	snop  }
0x7: {  	_ = 	snop  }
__scs_overlays_trampoline_lowered:
0x8: {  	[smem:$0x3FAB] =	sst s0  }
0x9: {  	[smem:$0x3FAC] =	sst s1  }
0xa: {  	[smem:$0x3FAD] =	sst s2  }
0xb: {  	[smem:$0x3FAE] =	sst s3  }
0xc: {  	[smem:$0x3FAF] =	sst s4  }
0xd: {  	[smem:$0x3FB0] =	sst s5  }
0xe: {  	[smem:$0x3FB1] =	sst s6  }
0xf: {  	[smem:$0x3FB2] =	sst s7  }
0x10: {  	[smem:$0x3FB3] =	sst s8  }
0x11: {  	[smem:$0x3FB4] =	sst s9;
	s0 =	simm.s32 @!p0 $0x0  }
0x12: {  	s1 =	sld [smem:$0x3F9A];
	s0 =	simm.s32 @p0 $0x1  }
0x13: {  	[smem:$0x3FB5] =	sst s0;
	s0 =	simm.s32 @!p1 $0x0  }
0x14: {  	s2 =	sld [smem:$0x3F99];
	s0 =	simm.s32 @p1 $0x1  }
0x15: {  	[smem:$0x3FB6] =	sst s0;
	s0 =	simm.s32 @!p2 $0x0  }
0x16: {  	s3 =	sld [smem:$0x3FDB];
	s0 =	simm.s32 @p2 $0x1  }
0x17: {  	s4 =	simm.s32 $0x1BF5;
	[smem:$0x3FB8] =	sst s0  }
0x18: {  	s0 =	sld [smem:$0x3F9B];
	_ =	swait.ge [sflag:s4], $0x0  }
0x19: {  	s7 =	sld [smem:$0x3F9C]  }
0x1a: {  	s8 =	sadd.s32 $0xFFFFE003, lr  }
0x1b: {  	s9 =	sadd.s32 $0xFFFFFEF7, lr;
	s5 =	simm.s32 $0xFFFFFFFF;
	p2 =	slt.u32 s8, $0xFFFFF086  }
0x1c: {  	p1 =	slt.u32 s9, $0xF7A;
	s5 =	simm.s32 @!p2 $0x0  }
0x1d: {  	s5 =	simm.s32 @p1 $0x1;
	p0 =	seq.s32 s7, s2  }
0x1e: {  	s7 =	smul.u32 @!p0 $0xF7A, s2;
	p2 =	seq.s32 @!p0 s5, $0x0  }
0x1f: {  	s9 =	smul.u32 $0xF7A, s1;
	s8 =	simm.s32 @!p0 $0x1BF5;
	p2 =	por !p2, p0  }
0x20: {  	[sflag:s8] =	ssyncset.s32 @!p0 $0xFFFFF086;
	s6 =	sadd.s32 @!p0 s3, s7;
	s7 =	simm.s32 @!p0 $0x108  }
0x21: {  	s3 =	sadd.s32 s3, s9;
	s6 =	sadd.s32 @!p0 $0x88, s6;
	s7 =	simm.s32 @p2 $0x1082  }
0x22: {  	[simem:s7], [sflag:s8] =	dma.local @!p0 [hbm:s6], $0xF7A  }
0x23: {  	s9 =	sor.u32 $0xD0000000, s2;
	s6 =	simm.s32 $0x108;
	_ =	swait.ge @!p0 [sflag:s8], $0x0  }
0x24: {  	s3 =	sadd.s32 $0x88, s3;
	s6 =	simm.s32 @!p1 $0x1082;
	[sflag:s4] =	ssyncset.s32 $0xFFFFF086  }
0x25: {  	[simem:s6], [sflag:s4] =	dma.local [hbm:s3], $0xF7A  }
0x26: {  	[smem:$0x3F9C] =	sst s1;
	(tag) =	ssettag s2;
	_ =	strace s9  }
0x27: {  	s1 =	sld [smem:$0x3FAC]  }
0x28: {  	s2 =	sld [smem:$0x3FAD]  }
0x29: {  	s4 =	sld [smem:$0x3FAF]  }
0x2a: {  	p0 =	seq.s32 s5, $0x0;
	s5 =	sld [smem:$0x3FB0]  }
0x2b: {  	s6 =	sld [smem:$0x3FB1]  }
0x2c: {  	s7 =	sld [smem:$0x3FB2]  }
0x2d: {  	s3 =	simm.s32 $0x108;
	s8 =	sld [smem:$0x3FB3]  }
0x2e: {  	s3 =	simm.s32 @!p0 $0x1082;
	s9 =	sld [smem:$0x3FB4]  }
0x2f: {  	lr =	sadd.s32 s0, s3;
	s0 =	sld [smem:$0x3FAB]  }
0x30: {  	s3 =	sld [smem:$0x3FAE]  }
0x31: {  	[smem:$0x3FB7] =	sst s10  }
0x32: {  	s10 =	sld [smem:$0x3FB5];
	_ =	sdelay $0x3  }
0x33: {  	p0 =	seq.s32 s10, $0x1;
	s10 =	sld [smem:$0x3FB7];
	_ =	sdelay $0x3  }
0x34: {  	[smem:$0x3FB7] =	sst s10  }
0x35: {  	s10 =	sld [smem:$0x3FB6];
	_ =	sdelay $0x3  }
0x36: {  	p1 =	seq.s32 s10, $0x1;
	s10 =	sld [smem:$0x3FB7];
	_ =	sdelay $0x3  }
0x37: {  	[smem:$0x3FB7] =	sst s10  }
0x38: {  	s10 =	sld [smem:$0x3FB8]  }
0x39: {  	_ = 	snop;
	(pc) =	sbr.ind lr, $3  }
0x3a: {  	_ = 	snop  }
0x3b: {  	_ = 	snop  }
0x3c: {  	p2 =	seq.s32 s10, $0x1;
	s10 =	sld [smem:$0x3FB7]  }
0x3d: {  	_ =	shalt  }
0x3e: {  	_ =	shalt  }
0x3f: {  	_ =	shalt  }
0x40: {  	_ =	shalt  }
0x41: {  	_ =	shalt  }
0x42: {  	_ =	shalt  }
0x43: {  	_ =	shalt  }
0x44: {  	_ =	shalt  }
0x45: {  	_ =	shalt  }
0x46: {  	_ =	shalt  }
0x47: {  	_ =	shalt  }
0x48: {  	_ =	shalt  }
0x49: {  	_ =	shalt  }
0x4a: {  	_ =	shalt  }
0x4b: {  	_ =	shalt  }
0x4c: {  	_ =	shalt  }
0x4d: {  	_ =	shalt  }
0x4e: {  	_ =	shalt  }
0x4f: {  	_ =	shalt  }
0x50: {  	_ =	shalt  }
0x51: {  	_ =	shalt  }
0x52: {  	_ =	shalt  }
0x53: {  	_ =	shalt  }
0x54: {  	_ =	shalt  }
0x55: {  	_ =	shalt  }
0x56: {  	_ =	shalt  }
0x57: {  	_ =	shalt  }
0x58: {  	_ =	shalt  }
0x59: {  	_ =	shalt  }
0x5a: {  	_ =	shalt  }
0x5b: {  	_ =	shalt  }
0x5c: {  	_ =	shalt  }
0x5d: {  	_ =	shalt  }
0x5e: {  	_ =	shalt  }
0x5f: {  	_ =	shalt  }
0x60: {  	_ =	shalt  }
0x61: {  	_ =	shalt  }
0x62: {  	_ =	shalt  }
0x63: {  	_ =	shalt  }
0x64: {  	_ =	shalt  }
0x65: {  	_ =	shalt  }
0x66: {  	_ =	shalt  }
0x67: {  	_ =	shalt  }
0x68: {  	_ =	shalt  }
0x69: {  	_ =	shalt  }
0x6a: {  	_ =	shalt  }
0x6b: {  	_ =	shalt  }
0x6c: {  	_ =	shalt  }
0x6d: {  	_ =	shalt  }
0x6e: {  	_ =	shalt  }
0x6f: {  	_ =	shalt  }
0x70: {  	_ =	shalt  }
0x71: {  	_ =	shalt  }
0x72: {  	_ =	shalt  }
0x73: {  	_ =	shalt  }
0x74: {  	_ =	shalt  }
0x75: {  	_ =	shalt  }
0x76: {  	_ =	shalt  }
0x77: {  	_ =	shalt  }
0x78: {  	_ =	shalt  }
0x79: {  	_ =	shalt  }
0x7a: {  	_ =	shalt  }
0x7b: {  	_ =	shalt  }
0x7c: {  	_ =	shalt  }
0x7d: {  	_ =	shalt  }
0x7e: {  	_ =	shalt  }
0x7f: {  	_ =	shalt  }
0x80: {  	_ =	shalt  }
0x81: {  	_ =	shalt  }
0x82: {  	_ =	shalt  }
0x83: {  	_ =	shalt  }
0x84: {  	_ =	shalt  }
0x85: {  	_ =	shalt  }
0x86: {  	_ =	shalt  }
0x87: {  	_ =	shalt  }
.Lfunc_end0:
.L_simem_size_0:
called_computation_lowered:
.L_overlay_start_0:
0x88: {  	s2 =	sld [smem:$0x3FD9]  }
0x89: {  	s3 =	sld [smem:$0x3FFE];
	_ =	sdelay $0x1  }
0x8a: {  	s1 =	srdreg.scid  }
0x8b: {  	s0 =	sand.u32 $0x1, s1  }
0x8c: {  	s17 =	sshll.u32 s0, $0xA;
	s2 =	sadd.s32 s3, s2  }
0x8d: {  	s2 =	sadd.s32 s2, s17  }
0x8e: {  	[smem:$0x3FC3] =	sst s2  }
0x8f: {  	_ = 	snop  }
0x90: {  	s2 =	sld [smem:$0x3FC9]  }
0x91: {  	s18 =	sld [smem:$0x3FD0];
	(tm) =	ssettm $0x1  }
0x92: {  	s4 =	sld [smem:$0x3FFB];
	_ =	sdelay $0x3  }
0x93: {  	_ =	strace s4  }
0x94: {  	s4 =	sld [smem:$0x3FFC];
	_ =	sdelay $0x3  }
0x95: {  	_ =	strace s4  }
0x96: {  	s4 =	sld [smem:$0x3FFD];
	_ =	sdelay $0x3  }
0x97: {  	_ =	strace s4  }
0x98: {  	_ =	strace $0x8FFFFFFF  }
0x99: {  	s19 =	sld [smem:$0x3FDB];
	_ =	sdelay $0x1  }
0x9a: {  	s5 =	simm.s32 $_scs_section_size  }
0x9b: {  	s6 =	simm.s32 $_size__tile_overlayer_lowered;
	s7 =	simm.s32 $_tile_overlayer_lowered  }
0x9c: {  	s22 =	simm.s32 $0x1BFF;
	s21 =	sshll.u32 s7, $0x1;
	s4 =	sadd.s32 s5, s19  }
0x9d: {  	s8 =	simm.s32 $0x0;
	s20 =	sshll.u32 s6, $0x1;
	s6 =	sadd.s32 s21, s4  }
0x9e: {  	[timem:s8], [sflag:s22] =	dma.local [hbm:s6], s20  }
0x9f: {  	_ =	swait.ge [sflag:s22], s20  }
0xa0: {  	s5 =	ssub.s32 $0x0, s20;
	[sflag:s22] =	ssyncset.done $0x0  }
0xa1: {  	[sflag:s22] =	ssyncadd.s32 s5;
	_ =	sdelay $0x1  }
0xa2: {  	s23 =	simm.s32 $0x1B8B  }
0xa3: {  	_ =	swait.ge [sflag:s23], $0x1  }
0xa4: {  	[sflag:s23] =	ssyncset.done $0x0  }
0xa5: {  	s25 =	simm.s32 $0x1B8E;
	s24 =	sld [smem:$0x3FFE];
	[sflag:s23] =	ssyncadd.s32 $0xFFFFFFFF  }
0xa6: {  	s26 =	simm.s32 $execute0_lowered;
	[smem:$0x3FD2] =	sst s25  }
0xa7: {  	s6 =	sshll.u32 s26, $0x1;
	_ =	strace $0x80000046;
	[dreg:$0x1] =	wrdreg $0xFFFFFFFF  }
0xa8: {  	s28 =	simm.s32 $_size_execute0_lowered;
	s4 =	sadd.s32 s4, s6;
	[dreg:$0x0] =	wrdreg $0x0  }
0xa9: {  	s6 =	sshll.u32 s28, $0x1;
	[dreg:$0x2] =	wrdreg s4  }
0xaa: {  	[dreg:$0x3] =	wrdreg s6  }
0xab: {  	[dreg:$0x4] =	wrdreg $0xC0  }
0xac: {  	_ =	task [dreg:s8], $0x5FFFF  }
0xad: {  	[dreg:$0x1] =	wrdreg $0xFFFFFFFF  }
0xae: {  	[dreg:$0x0] =	wrdreg $0x60  }
0xaf: {  	[dreg:$0x2] =	wrdreg s2  }
0xb0: {  	[dreg:$0x3] =	wrdreg s24  }
0xb1: {  	[dreg:$0x4] =	wrdreg s18  }
0xb2: {  	[dreg:$0x5] =	wrdreg $0x9  }
0xb3: {  	_ =	task.clear_ibuf [dreg:s8], $0x6FFFF;
	_ =	strace $0x90000046  }
0xb4: {  	s29 =	simm.s32 $0x9;
	_ =	strace $0x80000048  }
0xb5: {  	_ =	swait.ge [sflag:s29], $0x1  }
0xb6: {  	[sflag:s29] =	ssyncadd.s32 $0xFFFFFFFF  }
0xb7: {  	_ =	strace $0x90000048  }
0xb8: {  	_ =	sfence  }
0xb9: {  	s30 =	sld [smem:$0x0];
	_ =	sdelay $0x2  }
0xba: {  	s31 =	sshll.u32 s1, $0xD;
	s1 =	sshrl.u32 s1, $0x2  }
0xbb: {  	s3 =	sand.u32 $0x4000, s31;
	s1 =	sadd.s32 s1, s30  }
0xbc: {  	s0 =	sor.u32 s3, s0;
	s1 =	sshll.u32 s1, $0x11  }
0xbd: {  	s0 =	sor.u32 s1, s0  }
0xbe: {  	s0 =	sadd.s32 $0x8F2B, s0  }
0xbf: {  	[sflag:s0] =	ssyncadd.remote.s32 $0x1  }
0xc0: {  	_ =	sfence.sel $0xFFFF  }
0xc1: {  	[dreg:$0x0] =	wrdreg $0xFFFFFFFF;
	(pc) =	sbr.abs _section_cstart, $3  }
0xc2: {  	[dreg:$0x1] =	wrdreg $0xFFFFFFFF  }
0xc3: {  	_ =	task.clear_ibuf [dreg:s8], $0x2FFFF;
	_ =	strace $0x9FFFFFFF  }
0xc4: {  	(tm) =	ssettm $0x7FFFFFFF  }
0xc5: {  	_ =	shalt  }
tec
execute0_lowered:
.L_overlay_start_1:
0x0: {  	(tag) =	ssettag $0x1  }
0x1: {  	s1 =	rddreg [dreg:$0x0]  }
0x2: {  	s0 =	rddreg [dreg:$0x1]  }
0x3: {  	s2 =	srdreg.scid;
	s3 =	stileid.u32  }
0x4: {  	s15 =	rddreg [dreg:$0x2];
	s17 =	simm.s32 $0x2;
	s19 =	simm.s32 $0x1000  }
0x5: {  	s20 =	simm.s32 $0x1A00;
	s25 =	simm.s32 $0x1;
	s28 =	simm.s32 $0x0  }
0x6: {  	s2 =	sand.u32 $0x1, s2;
	s4 =	sshll.u32 s3, $0x1;
	s3 =	simm.s32 $0x0  }
0x7: {  	s5 =	sadd.s32 $0x1C00, s0;
	s29 =	sadd.s32 $0x1E00, s0;
	s11 =	sadd.s32 $0x100, s1  }
0x8: {  	s12 =	sadd.s32 $0x200, s1;
	s4 =	sor.u32 s2, s4;
	[smem:$0x7FF] =	sst s3  }
0x9: {  	s2 =	ssub.s32 $0x2, s2;
	s7 =	smul.u32 $0x2800, s4;
	_ =	strace $0x80000047  }
0xa: {  	s4 =	smul.u32 $0x50, s4;
	[dreg:$0x4] =	wrdreg s5;
	s8 =	sshrl.u32 s2, $0x1  }
0xb: {  	s13 =	sadd.s32 $0x300, s1;
	[dreg:$0x5] =	wrdreg s29;
	s2 =	ssub.s32 s2, s8  }
0xc: {  	s0 =	sadd.s32 s7, s0;
	s7 =	sadd.s32 $0x10, s4;
	s31 =	smax.u32 s2, $0x1  }
0xd: {  	v0 =	vlaneseq.u32;
	v2 =	vimm.f32 $0.0e+00;
	s16 =	sshrl.u32 s4, $0x3;
	s0 =	sadd.s32 $0x2200, s0;
	[dreg:$0x8] =	wrdreg s31  }
0xe: {  	vm0 =	vmmov $0xffff;
	v1 =	vor.u32 $0xFFFFF800, v0;
	v4 =	vshrl.u32 v0, $0x3;
	s8 =	sadd.s32 $0x20, s4;
	s30 =	sadd.s32 s15, s16;
	[dreg:$0x6] =	wrdreg s0  }
0xf: {  	v3 =	vand.u32 $0x7, v0;
	v5 =	vor.u32 $0x8, v0;
	v4 =	vmul.u32 $0x8, v4;
	s9 =	sadd.s32 $0x30, s4;
	s10 =	sadd.s32 $0x40, s4;
	[dreg:$0x7] =	wrdreg s30  }
.LBB2_1:
0x10: {  	s0 =	rddreg [dreg:$0x4];
	s2 =	simm.s32 $0x800  }
0x11: {  	s16 =	simm.s32 $0x70;
	s21 =	simm.s32 $0x10;
	s18 =	simm.s32 $0x20  }
0x12: {  	[tilespmem:s3], [sflag:$0x2] =	stream.linear.gather [hbm4b:s0+s3], $0x800, $0x38;
	v8 =	vmov s16;
	[tilespmem:$0x16500] =	vst v63  }
0x13: {  	s22 =	simm.s32 $0x60;
	s30 =	simm.s32 $0x0;
	v6 =	vor.u32 s16, v0;
	v18 =	vadd.s32 s16, v1;
	v7 =	vmov s21;
	_ =	swait.ge [sflag:s17], $0x800  }
0x14: {  	s23 =	simm.s32 $0x30;
	s24 =	simm.s32 $0x50;
	v9 =	vmov s18;
	v11 =	vmov s22;
	v10 =	vor.u32 s22, v0;
	[sflag:s17] =	ssyncset.done $0x0  }
0x15: {  	s26 =	simm.s32 $0x40;
	v12 =	vmov s30;
	v13 =	vmov s23;
	v14 =	vmov s24;
	s15 =	rddreg [dreg:$0x5];
	[sflag:s17] =	ssyncadd.s32 $0xFFFFF800  }
0x16: {  	v15 =	vadd.s32 s21, v1;
	v16 =	vadd.s32 s18, v1;
	v19 =	vadd.s32 s23, v1;
	[tilespmem:s2], [sflag:$0x2] =	stream.linear.gather [hbm4b:s15+s3], $0x800, $0x38;
	[tilespmem:$0x16500] =	vst v63  }
0x17: {  	v20 =	vadd.s32 s26, v1;
	vm1 =	vlt.u32 v11, $0x800;
	v11 =	vadd.s32 s22, v1;
	_ =	swait.ge [sflag:s17], $0x800  }
0x18: {  	vm3 =	vlt.u32 v9, $0x800;
	v9 =	vor.u32 s30, v0;
	vm6 =	vlt.u32 v14, $0x800;
	[sflag:s17] =	ssyncset.done $0x0  }
0x19: {  	s31 =	simm.s32 $0x1040;
	v14 =	vadd.s32 s30, v1;
	v11 =	vsel vm1, v10, v11;
	vm1 =	vlt.u32 v12, $0x800;
	[sflag:s17] =	ssyncadd.s32 $0xFFFFF800  }
0x1a: {  	vm2 =	vlt.u32 v7, $0x800;
	v7 =	vor.u32 s21, v0;
	v9 =	vsel vm1, v9, v14;
	[tilespmem:s31+$0x20] =	vst v11  }
0x1b: {  	vm4 =	vlt.u32 v13, $0x800;
	v12 =	vmov s26;
	v15 =	vsel vm2, v7, v15;
	[tilespmem:s31+$0xFFFFFFC0] =	vst v9  }
0x1c: {  	s0 =	simm.s32 $0x1A40;
	v13 =	vor.u32 s23, v0;
	vm5 =	vlt.u32 v12, $0x800;
	v12 =	vor.u32 s18, v0;
	[tilespmem:s31+$0xFFFFFFD0] =	vst v15  }
0x1d: {  	v14 =	vor.u32 s24, v0;
	vm1 =	vlt.u32 v8, $0x800;
	v17 =	vsel vm3, v12, v16;
	[tilespmem:s0+$0x20] =	vst v2  }
0x1e: {  	s29 =	simm.s32 $0x840;
	s22 =	simm.s32 $0x1040;
	s23 =	simm.s32 $0x1A40;
	v16 =	vsel vm4, v13, v19;
	v11 =	vor.u32 s26, v0;
	v9 =	vadd.s32 s24, v1;
	[tilespmem:s0+$0xFFFFFFC0] =	vst v2  }
0x1f: {  	s18 =	simm.s32 $0x0;
	s2 =	simm.s32 $0x40;
	v8 =	vsel vm1, v6, v18;
	s24 =	simm.s32 $0xF0;
	v15 =	vsel vm5, v11, v20;
	v9 =	vsel vm6, v14, v9;
	[tilespmem:s0+$0xFFFFFFD0] =	vst v2  }
.LBB2_2:
0x20: {  	s26 =	sadd.s32 $0xFFFFFFA0, s24;
	s5 =	sadd.s32 $0xFFFFFFB0, s24;
	s6 =	sadd.s32 $0xFFFFFFF0, s24;
	v18 =	vmov s24;
	v19 =	vor.u32 s24, v0;
	v20 =	vadd.s32 s24, v1;
	[tilespmem:s31+$0xFFFFFFE0] =	vst v17  }
0x21: {  	s21 =	sadd.s32 $0xFFFFFFC0, s24;
	s14 =	sadd.s32 $0xFFFFFFD0, s24;
	s18 =	sadd.s32 $0x8, s18;
	v17 =	vmov s26;
	v21 =	vmov s5;
	v22 =	vmov s6;
	[tilespmem:s0+$0xFFFFFFE0] =	vst v2  }
0x22: {  	s15 =	sadd.s32 $0xFFFFFF90, s24;
	s16 =	sadd.s32 $0xFFFFFFE0, s24;
	v23 =	vor.u32 s6, v0;
	p0 =	slt.u32 s18, $0x98;
	vm1 =	vlt.u32 v22, $0x800;
	v22 =	vadd.s32 s6, v1;
	[tilespmem:s31+$0xFFFFFFF0] =	vst v16  }
0x23: {  	v24 =	vmov s21;
	v16 =	vmov s15;
	s31 =	sadd.s32 $0x80, s31;
	v22 =	vsel vm1, v23, v22;
	[tilespmem:s0+$0xFFFFFFF0] =	vst v2  }
0x24: {  	vm1 =	vlt.u32 v16, $0x800;
	v16 =	vmov s14;
	v23 =	vmov s16;
	s0 =	sadd.s32 $0x80, s0;
	[tilespmem:s31+$0x20] =	vst v22  }
0x25: {  	vm5 =	vlt.u32 v17, $0x800;
	vm6 =	vlt.u32 v21, $0x800;
	vm2 =	vlt.u32 v24, $0x800;
	[tilespmem:s0+$0x20] =	vst v2  }
0x26: {  	v17 =	vor.u32 s15, v0;
	vm3 =	vlt.u32 v16, $0x800;
	vm4 =	vlt.u32 v23, $0x800;
	[tilespmem:s22+$0x0] =	vst v15  }
0x27: {  	v21 =	vadd.s32 s26, v1;
	v16 =	vor.u32 s26, v0;
	v15 =	vadd.s32 s15, v1;
	[tilespmem:s23+$0x0] =	vst v2  }
0x28: {  	v24 =	vor.u32 s21, v0;
	v22 =	vor.u32 s5, v0;
	v23 =	vadd.s32 s5, v1;
	[tilespmem:s22+$0x10] =	vst v9  }
0x29: {  	v25 =	vor.u32 s14, v0;
	v26 =	vadd.s32 s14, v1;
	v9 =	vadd.s32 s21, v1;
	[tilespmem:s23+$0x10] =	vst v2  }
0x2a: {  	v27 =	vor.u32 s16, v0;
	v28 =	vadd.s32 s16, v1;
	vm7 =	vlt.u32 v18, $0x800;
	[tilespmem:s22+$0x30] =	vst v8;
	s22 =	smov.u32 s31  }
.Ltmp0:
0x2b: {  	v18 =	vsel vm5, v16, v21;
	v8 =	vsel vm1, v17, v15;
	v17 =	vsel vm6, v22, v23;
	[tilespmem:s23+$0x30] =	vst v2;
	s23 =	smov.u32 s0;
	(pc) =	sbr.rel @p0 .LBB2_2-.Ltmp0, $4  }
0x2c: {  	v16 =	vsel vm2, v24, v9;
	v9 =	vsel vm4, v27, v28;
	v15 =	vsel vm3, v25, v26;
	[tilespmem:s31+$0xFFFFFFC0] =	vst v8  }
0x2d: {  	v8 =	vsel vm7, v19, v20;
	[tilespmem:s0+$0xFFFFFFC0] =	vst v2  }
0x2e: {  	[tilespmem:s31+$0xFFFFFFD0] =	vst v18  }
0x2f: {  	s24 =	sadd.s32 $0x80, s24;
	[tilespmem:s0+$0xFFFFFFD0] =	vst v2  }
0x30: {  	[tilespmem:s31+$0xFFFFFFE0] =	vst v17  }
0x31: {  	[tilespmem:s31+$0xFFFFFFF0] =	vst v16  }
0x32: {  	[tilespmem:s22+$0x0] =	vst v15  }
0x33: {  	[tilespmem:s22+$0x10] =	vst v9  }
0x34: {  	[tilespmem:s22+$0x30] =	vst v8  }
0x35: {  	[tilespmem:s0+$0xFFFFFFE0] =	vst v2  }
0x36: {  	[tilespmem:s0+$0xFFFFFFF0] =	vst v2  }
0x37: {  	[tilespmem:s23+$0x0] =	vst v2  }
0x38: {  	[tilespmem:s23+$0x10] =	vst v2  }
0x39: {  	[tilespmem:s23+$0x30] =	vst v2  }
0x3a: {  	v8 =	vld [tilespmem:s2+$0x20];
	_ =	sdelay $0x1  }
0x3b: {  	v9 =	vld [tilespmem:s2+$0x30]  }
0x3c: {  	v15 =	vld [tilespmem:s2+$0x10]  }
0x3d: {  	v16 =	vld [tilespmem:s2+$0xFFFFFFF0]  }
0x3e: {  	v17 =	vld [tilespmem:s2+$0xFFFFFFE0];
	vm1 =	vlt.s32 v8, $0x9FF;
	vm2 =	vlt.s32 v8, $0xA00  }
0x3f: {  	v18 =	vld [tilespmem:s2+$0x0];
	v19 =	vnsel vm1, $0x9FF, v8  }
0x40: {  	v20 =	vld [tilespmem:s2+$0xFFFFFFD0];
	vm3 =	vlt.s32 v9, $0xA00;
	vm4 =	vlt.s32 v9, $0x9FF  }
0x41: {  	s31 =	simm.s32 $0xC0;
	v22 =	vld [tilespmem:s2+$0xFFFFFFC0];
	v21 =	vnsel vm4, $0x9FF, v9;
	vm1 =	vlt.s32 v15, $0xA00;
	vm4 =	vlt.s32 v15, $0x9FF  }
0x42: {  	v23 =	vld [tilespmem:s31+$0x30];
	vm8 =	vlt.s32 v16, $0xA00;
	v8 =	vnsel vm4, $0x9FF, v15;
	vm4 =	vlt.s32 v16, $0x9FF  }
0x43: {  	v25 =	vld [tilespmem:s31+$0x20];
	vm5 =	vlt.s32 v17, $0xA00;
	vm6 =	vlt.s32 v17, $0x9FF;
	v24 =	vnsel vm4, $0x9FF, v16  }
0x44: {  	v9 =	vld [tilespmem:s31+$0x0];
	[tilespmem:v19+s19+$0x0] =	vst.idx.msk vm2, v10;
	v10 =	vnsel vm6, $0x9FF, v17  }
0x45: {  	vm9 =	vlt.s32 v20, $0x9FF;
	vm4 =	vlt.s32 v18, $0x9FF;
	vm6 =	vlt.s32 v18, $0xA00;
	v26 =	vld [tilespmem:s29+$0x20]  }
0x46: {  	vm7 =	vmmov vm3;
	v16 =	vnsel vm4, $0x9FF, v18;
	[tilespmem:v21+s19+$0x0] =	vst.idx.msk vm3, v6;
	vm3 =	vlt.s32 v20, $0xA00;
	v17 =	vld [tilespmem:s31+$0xFFFFFFF0]  }
0x47: {  	v15 =	vnsel vm9, $0x9FF, v20;
	v20 =	vld [tilespmem:s31+$0x10];
	[tilespmem:v8+s19+$0x0] =	vst.idx.msk vm1, v14  }
0x48: {  	vm10 =	vlt.s32 v23, $0xA00;
	vm4 =	vlt.s32 v23, $0x9FF;
	v27 =	vld [tilespmem:s29+$0x30];
	[tilespmem:v24+s19+$0x0] =	vst.idx.msk vm8, v13  }
0x49: {  	v6 =	vnsel vm4, $0x9FF, v23;
	v18 =	vld [tilespmem:s31+$0xFFFFFFE0];
	[tilespmem:v10+s19+$0x0] =	vst.idx.msk vm5, v12  }
0x4a: {  	vm9 =	vlt.s32 v22, $0x9FF;
	vm4 =	vlt.s32 v22, $0xA00;
	v23 =	vld [tilespmem:s29+$0xFFFFFFF0];
	[tilespmem:v19+s20+$0x0] =	vst.idx.msk vm2, v26  }
0x4b: {  	vm11 =	vlt.s32 v25, $0x9FF;
	v14 =	vld [tilespmem:s29+$0x10];
	v12 =	vnsel vm9, $0x9FF, v22;
	[tilespmem:v16+s19+$0x0] =	vst.idx.msk vm6, v11;
	vm2 =	vlt.s32 v25, $0xA00  }
0x4c: {  	s2 =	simm.s32 $0xF0;
	v13 =	vld [tilespmem:s29+$0xFFFFFFE0];
	[tilespmem:v15+s19+$0x0] =	vst.idx.msk vm3, v7;
	v7 =	vnsel vm11, $0x9FF, v25  }
0x4d: {  	[tilespmem:v21+s20+$0x0] =	vst.idx.msk vm7, v27;
	v11 =	vor.u32 s2, v0;
	v22 =	vld [tilespmem:s29+$0x0]  }
0x4e: {  	v63 =	vor.u32 s30, v0;
	vm7 =	vmmov vm5;
	[tilespmem:v6+s19+$0x0] =	vst.idx.msk vm10, v11;
	v21 =	vld [tilespmem:s29+$0xFFFFFFD0]  }
0x4f: {  	s5 =	simm.s32 $0xE0;
	vm9 =	vmmov vm1;
	vm1 =	vmmov vm10;
	vm5 =	vlt.s32 v9, $0x9FF;
	v19 =	vld [tilespmem:s31+$0xFFFFFFD0];
	[tilespmem:v24+s20+$0x0] =	vst.idx.msk vm8, v23  }
0x50: {  	s30 =	simm.s32 $0x80;
	s0 =	simm.s32 $0x8;
	v11 =	vld [tilespmem:s31+$0xFFFFFFC0];
	vm10 =	vlt.s32 v20, $0x9FF;
	vm8 =	vlt.s32 v20, $0xA00;
	v23 =	vor.u32 s5, v0;
	[tilespmem:v12+s19+$0x0] =	vst.idx.msk vm4, v63  }
.LBB2_4:
0x51: {  	s0 =	sadd.s32 $0x8, s0;
	v20 =	vnsel vm10, $0x9FF, v20;
	[tilespmem:v7+s19+$0x0] =	vst.idx.msk vm2, v23;
	s31 =	sadd.s32 $0x80, s31;
	v23 =	vld [tilespmem:s29+$0xFFFFFFC0];
	s29 =	sadd.s32 $0x80, s29  }
0x52: {  	vm10 =	vlt.s32 v17, $0xA00;
	vm12 =	vlt.s32 v17, $0x9FF;
	v24 =	vld [tilespmem:s31+$0x0];
	p0 =	slt.u32 s0, $0x78;
	[tilespmem:v16+s20+$0x0] =	vst.idx.msk vm6, v22  }
0x53: {  	vm11 =	vlt.s32 v18, $0xA00;
	vm6 =	vlt.s32 v18, $0x9FF;
	v25 =	vnsel vm12, $0x9FF, v17;
	v22 =	vld [tilespmem:s31+$0x30];
	[tilespmem:v15+s20+$0x0] =	vst.idx.msk vm3, v21  }
0x54: {  	s5 =	sadd.s32 $0xFFFFFFE0, s2;
	v21 =	vld [tilespmem:s31+$0x20];
	vm3 =	vlt.s32 v19, $0xA00;
	vm12 =	vlt.s32 v19, $0x9FF;
	[tilespmem:v10+s20+$0x0] =	vst.idx.msk vm7, v13;
	v10 =	vnsel vm6, $0x9FF, v18  }
0x55: {  	vm6 =	vlt.s32 v9, $0xA00;
	v13 =	vor.u32 s5, v0;
	vm7 =	vlt.s32 v11, $0x9FF;
	v18 =	vld [tilespmem:s29+$0x20];
	[tilespmem:v8+s20+$0x0] =	vst.idx.msk vm9, v14;
	v8 =	vmovc v20  }
0x56: {  	s5 =	sadd.s32 $0xFFFFFFC0, s2;
	v15 =	vnsel vm12, $0x9FF, v19;
	v17 =	vnsel vm7, $0x9FF, v11;
	[tilespmem:v20+s19+$0x0] =	vst.idx.msk vm8, v13;
	v19 =	vld [tilespmem:s29+$0x30];
	vm7 =	vmmov vm11  }
0x57: {  	s6 =	sadd.s32 $0xFFFFFFB0, s2;
	v16 =	vnsel vm5, $0x9FF, v9;
	v13 =	vor.u32 s5, v0;
	vm5 =	vlt.s32 v24, $0x9FF;
	v14 =	vld [tilespmem:s29+$0x10];
	[tilespmem:v12+s20+$0x0] =	vst.idx.msk vm4, v23;
	v9 =	vmovc v24;
	v12 =	vmovc v17  }
0x58: {  	v20 =	vor.u32 s6, v0;
	v17 =	vld [tilespmem:s31+$0xFFFFFFF0];
	vm12 =	vlt.s32 v22, $0xA00;
	vm4 =	vlt.s32 v22, $0x9FF;
	[tilespmem:v25+s19+$0x0] =	vst.idx.msk vm10, v13  }
0x59: {  	vm9 =	vmmov vm8;
	vm13 =	vlt.s32 v21, $0x9FF;
	v23 =	vnsel vm4, $0x9FF, v22;
	[tilespmem:v10+s19+$0x0] =	vst.idx.msk vm11, v20;
	v24 =	vld [tilespmem:s29+$0xFFFFFFF0]  }
0x5a: {  	s5 =	sadd.s32 $0xFFFFFFD0, s2;
	vm4 =	vlt.s32 v11, $0xA00;
	v13 =	vld [tilespmem:s29+$0xFFFFFFE0];
	[tilespmem:v7+s20+$0x0] =	vst.idx.msk vm2, v18  }
0x5b: {  	s6 =	sadd.s32 $0xFFFFFFA0, s2;
	v11 =	vor.u32 s5, v0;
	vm2 =	vlt.s32 v21, $0xA00;
	v20 =	vld [tilespmem:s31+$0x10];
	[tilespmem:v6+s20+$0x0] =	vst.idx.msk vm1, v19;
	v6 =	vmovc v23;
	vm1 =	vmmov vm12  }
.Ltmp1:
0x5c: {  	s2 =	sadd.s32 $0x80, s2;
	v7 =	vnsel vm13, $0x9FF, v21;
	v19 =	vor.u32 s6, v0;
	v18 =	vld [tilespmem:s31+$0xFFFFFFE0];
	[tilespmem:v16+s19+$0x0] =	vst.idx.msk vm6, v11;
	(pc) =	sbr.rel @p0 .LBB2_4-.Ltmp1, $4  }
0x5d: {  	s5 =	sadd.s32 $0xFFFFFF90, s2;
	v11 =	vor.u32 s2, v0;
	[tilespmem:v15+s19+$0x0] =	vst.idx.msk vm3, v19;
	v22 =	vld [tilespmem:s29+$0x0]  }
0x5e: {  	v26 =	vor.u32 s30, v0;
	s30 =	smov.u32 s5;
	[tilespmem:v23+s19+$0x0] =	vst.idx.msk vm12, v11;
	v21 =	vld [tilespmem:s29+$0xFFFFFFD0]  }
0x5f: {  	s5 =	sadd.s32 $0xFFFFFFF0, s2;
	v19 =	vld [tilespmem:s31+$0xFFFFFFD0];
	[tilespmem:v25+s20+$0x0] =	vst.idx.msk vm10, v24  }
0x60: {  	v23 =	vor.u32 s5, v0;
	v11 =	vld [tilespmem:s31+$0xFFFFFFC0];
	vm8 =	vlt.s32 v20, $0xA00;
	vm10 =	vlt.s32 v20, $0x9FF;
	[tilespmem:v12+s19+$0x0] =	vst.idx.msk vm4, v26  }
0x61: {  	_ =	sdelay $0x4  }
0x62: {  	v20 =	vnsel vm10, $0x9FF, v20;
	[tilespmem:v7+s19+$0x0] =	vst.idx.msk vm2, v23  }
0x63: {  	v46 =	vld [tilespmem:s29+$0xFFFFFFC0];
	vm10 =	vlt.s32 v17, $0xA00;
	vm12 =	vlt.s32 v17, $0x9FF;
	[tilespmem:v10+s20+$0x0] =	vst.idx.msk vm7, v13  }
0x64: {  	vm11 =	vlt.s32 v18, $0xA00;
	vm15 =	vlt.s32 v18, $0x9FF;
	[tilespmem:v8+s20+$0x0] =	vst.idx.msk vm9, v14;
	v47 =	vnsel vm12, $0x9FF, v17  }
0x65: {  	s0 =	sadd.s32 $0xFFFFFFE0, s2;
	s23 =	sadd.s32 $0x80, s29;
	[tilespmem:v16+s20+$0x0] =	vst.idx.msk vm6, v22;
	v48 =	vnsel vm15, $0x9FF, v18  }
0x66: {  	s5 =	sadd.s32 $0xFFFFFFC0, s2;
	v49 =	vor.u32 s0, v0;
	v54 =	vld [tilespmem:s23+$0x30];
	[tilespmem:v15+s20+$0x0] =	vst.idx.msk vm3, v21  }
0x67: {  	v50 =	vnsel vm5, $0x9FF, v9;
	s24 =	sadd.s32 $0xFFFFFFB0, s2;
	vm6 =	vlt.s32 v9, $0xA00;
	v52 =	vld [tilespmem:s23+$0x20];
	v53 =	vor.u32 s5, v0;
	[tilespmem:v20+s19+$0x0] =	vst.idx.msk vm8, v49  }
0x68: {  	v55 =	vor.u32 s24, v0;
	vm3 =	vlt.s32 v19, $0xA00;
	vm12 =	vlt.s32 v19, $0x9FF;
	[tilespmem:v12+s20+$0x0] =	vst.idx.msk vm4, v46  }
0x69: {  	v51 =	vnsel vm12, $0x9FF, v19;
	vm13 =	vlt.s32 v11, $0x9FF;
	vm14 =	vlt.s32 v11, $0xA00;
	[tilespmem:v47+s19+$0x0] =	vst.idx.msk vm10, v53  }
0x6a: {  	v57 =	vnsel vm13, $0x9FF, v11;
	[tilespmem:v48+s19+$0x0] =	vst.idx.msk vm11, v55  }
0x6b: {  	s26 =	sadd.s32 $0xFFFFFFD0, s2;
	[tilespmem:v6+s20+$0x0] =	vst.idx.msk vm1, v54;
	v6 =	vld [tilespmem:s23+$0x10]  }
0x6c: {  	s29 =	sadd.s32 $0xFFFFFFA0, s2;
	v56 =	vor.u32 s26, v0;
	[tilespmem:v7+s20+$0x0] =	vst.idx.msk vm2, v52;
	v59 =	vld [tilespmem:s23+$0xFFFFFFF0]  }
0x6d: {  	v58 =	vor.u32 s29, v0;
	[tilespmem:v50+s19+$0x0] =	vst.idx.msk vm6, v56;
	v61 =	vld [tilespmem:s23+$0xFFFFFFE0]  }
0x6e: {  	v60 =	vor.u32 s30, v0;
	v13 =	vld [tilespmem:s23+$0x0];
	[tilespmem:v51+s19+$0x0] =	vst.idx.msk vm3, v58  }
0x6f: {  	v7 =	vld [tilespmem:s23+$0xFFFFFFD0];
	[tilespmem:v57+s19+$0x0] =	vst.idx.msk vm14, v60  }
0x70: {  	v10 =	vld [tilespmem:s23+$0xFFFFFFC0];
	[tilespmem:v20+s20+$0x0] =	vst.idx.msk vm8, v6  }
0x71: {  	[tilespmem:v47+s20+$0x0] =	vst.idx.msk vm10, v59  }
0x72: {  	[tilespmem:v48+s20+$0x0] =	vst.idx.msk vm11, v61  }
0x73: {  	[tilespmem:v50+s20+$0x0] =	vst.idx.msk vm6, v13  }
0x74: {  	[tilespmem:v51+s20+$0x0] =	vst.idx.msk vm3, v7  }
0x75: {  	[tilespmem:v57+s20+$0x0] =	vst.idx.msk vm14, v10  }
0x76: {  	v6 =	vld [tilespmem:s4+$0x1000];
	_ =	sdelay $0x4  }
0x77: {  	[tilespmem:$0x2400] =	vst v6  }
0x78: {  	v6 =	vld [tilespmem:s4+$0x1A00];
	_ =	sdelay $0x4  }
0x79: {  	[tilespmem:$0x2480] =	vst v6  }
0x7a: {  	v6 =	vld [tilespmem:s7+$0x1000];
	_ =	sdelay $0x4  }
0x7b: {  	[tilespmem:$0x2410] =	vst v6  }
0x7c: {  	v6 =	vld [tilespmem:s7+$0x1A00];
	_ =	sdelay $0x4  }
0x7d: {  	[tilespmem:$0x2490] =	vst v6  }
0x7e: {  	v6 =	vld [tilespmem:s8+$0x1000];
	_ =	sdelay $0x4  }
0x7f: {  	[tilespmem:$0x2420] =	vst v6  }
0x80: {  	v6 =	vld [tilespmem:s8+$0x1A00];
	_ =	sdelay $0x4  }
0x81: {  	[tilespmem:$0x24A0] =	vst v6  }
0x82: {  	v6 =	vld [tilespmem:s9+$0x1000];
	_ =	sdelay $0x4  }
0x83: {  	[tilespmem:$0x2430] =	vst v6  }
0x84: {  	v6 =	vld [tilespmem:s9+$0x1A00];
	_ =	sdelay $0x2  }
0x85: {  	v7 =	vld [tilespmem:$0x2400];
	_ =	sdelay $0x1  }
0x86: {  	[tilespmem:$0x24B0] =	vst v6  }
0x87: {  	v6 =	vld [tilespmem:s10+$0x1000];
	_ =	sdelay $0x1  }
0x88: {  	v62 =	vshll.u32 v7, $0x3  }
0x89: {  	v7 =	vand.u32 $0x7, v7;
	v8 =	vand.u32 $0xFFFFFFC0, v62  }
0x8a: {  	v7 =	vor.u32 v7, v8  }
0x8b: {  	[tilespmem:$0x2440] =	vst v6;
	v6 =	vperm.xlane v7, v3  }
0x8c: {  	v63 =	vld [tilespmem:s10+$0x1A00]  }
0x8d: {  	v6 =	vadd.s32 v4, v6;
	_ =	sdelay $0x3  }
0x8e: {  	s2 =	simm.s32 $0x2500;
	[tilespmem:$0x24C0] =	vst v63  }
0x8f: {  	[tilespmem:s2], [sflag:$0x1] =	stream.indirect_vreg.gather [hbm4b:s1+s3], $0x80, v6, vm0, $0xb8;
	[tilespmem:$0x16500] =	vst v63  }
0x90: {  	s31 =	simm.s32 $0x2D00;
	v7 =	vperm.xlane v7, v5  }
0x91: {  	[tilespmem:s31], [sflag:$0x1] =	stream.indirect_vreg.gather [hbm4b:s11+s3], $0x80, v6, vm0, $0xb8;
	[tilespmem:$0x16500] =	vst v63  }
0x92: {  	s5 =	simm.s32 $0x3500;
	v7 =	vadd.s32 v4, v7  }
0x93: {  	[tilespmem:s5], [sflag:$0x1] =	stream.indirect_vreg.gather [hbm4b:s12+s3], $0x80, v6, vm0, $0xb8;
	[tilespmem:$0x16500] =	vst v63  }
0x94: {  	s6 =	simm.s32 $0x3D00  }
0x95: {  	[tilespmem:s6], [sflag:$0x1] =	stream.indirect_vreg.gather [hbm4b:s13+s3], $0x80, v6, vm0, $0xb8;
	[tilespmem:$0x16500] =	vst v63  }
0x96: {  	s14 =	simm.s32 $0x4500  }
0x97: {  	[tilespmem:s14], [sflag:$0x1] =	stream.indirect_vreg.gather [hbm4b:s1+s3], $0x80, v7, vm0, $0xb8;
	[tilespmem:$0x16500] =	vst v63  }
0x98: {  	s15 =	simm.s32 $0x4D00  }
0x99: {  	[tilespmem:s15], [sflag:$0x1] =	stream.indirect_vreg.gather [hbm4b:s11+s3], $0x80, v7, vm0, $0xb8;
	[tilespmem:$0x16500] =	vst v63  }
0x9a: {  	s16 =	simm.s32 $0x5500  }
0x9b: {  	[tilespmem:s16], [sflag:$0x1] =	stream.indirect_vreg.gather [hbm4b:s12+s3], $0x80, v7, vm0, $0xb8;
	[tilespmem:$0x16500] =	vst v63  }
0x9c: {  	s18 =	simm.s32 $0x5D00  }
0x9d: {  	[tilespmem:s18], [sflag:$0x1] =	stream.indirect_vreg.gather [hbm4b:s13+s3], $0x80, v7, vm0, $0xb8;
	[tilespmem:$0x16500] =	vst v63  }
0x9e: {  	v6 =	vld [tilespmem:$0x2410];
	_ =	sdelay $0x4  }
0x9f: {  	v7 =	vshll.u32 v6, $0x3  }
0xa0: {  	v6 =	vand.u32 $0x7, v6;
	v7 =	vand.u32 $0xFFFFFFC0, v7  }
0xa1: {  	v6 =	vor.u32 v6, v7  }
0xa2: {  	v7 =	vperm.xlane v6, v3;
	_ =	sdelay $0x1  }
0xa3: {  	v7 =	vadd.s32 v4, v7;
	_ =	sdelay $0x3  }
0xa4: {  	s21 =	simm.s32 $0x6500  }
0xa5: {  	[tilespmem:s21], [sflag:$0x1] =	stream.indirect_vreg.gather [hbm4b:s1+s3], $0x80, v7, vm0, $0xb8;
	[tilespmem:$0x16500] =	vst v63  }
0xa6: {  	s22 =	simm.s32 $0x6D00;
	v6 =	vperm.xlane v6, v5  }
0xa7: {  	[tilespmem:s22], [sflag:$0x1] =	stream.indirect_vreg.gather [hbm4b:s11+s3], $0x80, v7, vm0, $0xb8;
	[tilespmem:$0x16500] =	vst v63  }
0xa8: {  	s23 =	simm.s32 $0x7500;
	v6 =	vadd.s32 v4, v6  }
0xa9: {  	[tilespmem:s23], [sflag:$0x1] =	stream.indirect_vreg.gather [hbm4b:s12+s3], $0x80, v7, vm0, $0xb8;
	[tilespmem:$0x16500] =	vst v63  }
0xaa: {  	s24 =	simm.s32 $0x7D00  }
0xab: {  	[tilespmem:s24], [sflag:$0x1] =	stream.indirect_vreg.gather [hbm4b:s13+s3], $0x80, v7, vm0, $0xb8;
	[tilespmem:$0x16500] =	vst v63  }
0xac: {  	s26 =	simm.s32 $0x8500  }
0xad: {  	[tilespmem:s26], [sflag:$0x1] =	stream.indirect_vreg.gather [hbm4b:s1+s3], $0x80, v6, vm0, $0xb8;
	[tilespmem:$0x16500] =	vst v63  }
0xae: {  	s29 =	simm.s32 $0x8D00  }
0xaf: {  	[tilespmem:s29], [sflag:$0x1] =	stream.indirect_vreg.gather [hbm4b:s11+s3], $0x80, v6, vm0, $0xb8;
	[tilespmem:$0x16500] =	vst v63  }
0xb0: {  	s30 =	simm.s32 $0x9500  }
0xb1: {  	[tilespmem:s30], [sflag:$0x1] =	stream.indirect_vreg.gather [hbm4b:s12+s3], $0x80, v6, vm0, $0xb8;
	[tilespmem:$0x16500] =	vst v63  }
0xb2: {  	s31 =	simm.s32 $0x9D00  }
0xb3: {  	[tilespmem:s31], [sflag:$0x1] =	stream.indirect_vreg.gather [hbm4b:s13+s3], $0x80, v6, vm0, $0xb8;
	[tilespmem:$0x16500] =	vst v63  }
0xb4: {  	v6 =	vld [tilespmem:$0x2420];
	_ =	sdelay $0x4  }
0xb5: {  	v7 =	vshll.u32 v6, $0x3  }
0xb6: {  	v6 =	vand.u32 $0x7, v6;
	v7 =	vand.u32 $0xFFFFFFC0, v7  }
0xb7: {  	v6 =	vor.u32 v6, v7  }
0xb8: {  	v7 =	vperm.xlane v6, v3;
	_ =	sdelay $0x1  }
0xb9: {  	v7 =	vadd.s32 v4, v7;
	_ =	sdelay $0x3  }
0xba: {  	s5 =	simm.s32 $0xA500  }
0xbb: {  	[tilespmem:s5], [sflag:$0x1] =	stream.indirect_vreg.gather [hbm4b:s1+s3], $0x80, v7, vm0, $0xb8;
	[tilespmem:$0x16500] =	vst v63  }
0xbc: {  	s6 =	simm.s32 $0xAD00;
	v6 =	vperm.xlane v6, v5  }
0xbd: {  	[tilespmem:s6], [sflag:$0x1] =	stream.indirect_vreg.gather [hbm4b:s11+s3], $0x80, v7, vm0, $0xb8;
	[tilespmem:$0x16500] =	vst v63  }
0xbe: {  	s14 =	simm.s32 $0xB500;
	v6 =	vadd.s32 v4, v6  }
0xbf: {  	[tilespmem:s14], [sflag:$0x1] =	stream.indirect_vreg.gather [hbm4b:s12+s3], $0x80, v7, vm0, $0xb8;
	[tilespmem:$0x16500] =	vst v63  }
0xc0: {  	s15 =	simm.s32 $0xBD00  }
0xc1: {  	[tilespmem:s15], [sflag:$0x1] =	stream.indirect_vreg.gather [hbm4b:s13+s3], $0x80, v7, vm0, $0xb8;
	[tilespmem:$0x16500] =	vst v63  }
0xc2: {  	s16 =	simm.s32 $0xC500  }
0xc3: {  	[tilespmem:s16], [sflag:$0x1] =	stream.indirect_vreg.gather [hbm4b:s1+s3], $0x80, v6, vm0, $0xb8;
	[tilespmem:$0x16500] =	vst v63  }
0xc4: {  	s18 =	simm.s32 $0xCD00  }
0xc5: {  	[tilespmem:s18], [sflag:$0x1] =	stream.indirect_vreg.gather [hbm4b:s11+s3], $0x80, v6, vm0, $0xb8;
	[tilespmem:$0x16500] =	vst v63  }
0xc6: {  	s21 =	simm.s32 $0xD500  }
0xc7: {  	[tilespmem:s21], [sflag:$0x1] =	stream.indirect_vreg.gather [hbm4b:s12+s3], $0x80, v6, vm0, $0xb8;
	[tilespmem:$0x16500] =	vst v63  }
0xc8: {  	s22 =	simm.s32 $0xDD00  }
0xc9: {  	[tilespmem:s22], [sflag:$0x1] =	stream.indirect_vreg.gather [hbm4b:s13+s3], $0x80, v6, vm0, $0xb8;
	[tilespmem:$0x16500] =	vst v63  }
0xca: {  	v6 =	vld [tilespmem:$0x2430];
	_ =	sdelay $0x4  }
0xcb: {  	v7 =	vshll.u32 v6, $0x3  }
0xcc: {  	v6 =	vand.u32 $0x7, v6;
	v7 =	vand.u32 $0xFFFFFFC0, v7  }
0xcd: {  	v6 =	vor.u32 v6, v7  }
0xce: {  	v7 =	vperm.xlane v6, v3;
	_ =	sdelay $0x1  }
0xcf: {  	v7 =	vadd.s32 v4, v7;
	_ =	sdelay $0x3  }
0xd0: {  	s23 =	simm.s32 $0xE500  }
0xd1: {  	[tilespmem:s23], [sflag:$0x1] =	stream.indirect_vreg.gather [hbm4b:s1+s3], $0x80, v7, vm0, $0xb8;
	[tilespmem:$0x16500] =	vst v63  }
0xd2: {  	s24 =	simm.s32 $0xED00;
	v6 =	vperm.xlane v6, v5  }
0xd3: {  	[tilespmem:s24], [sflag:$0x1] =	stream.indirect_vreg.gather [hbm4b:s11+s3], $0x80, v7, vm0, $0xb8;
	[tilespmem:$0x16500] =	vst v63  }
0xd4: {  	s26 =	simm.s32 $0xF500;
	v6 =	vadd.s32 v4, v6  }
0xd5: {  	[tilespmem:s26], [sflag:$0x1] =	stream.indirect_vreg.gather [hbm4b:s12+s3], $0x80, v7, vm0, $0xb8;
	[tilespmem:$0x16500] =	vst v63  }
0xd6: {  	s29 =	simm.s32 $0xFD00  }
0xd7: {  	[tilespmem:s29], [sflag:$0x1] =	stream.indirect_vreg.gather [hbm4b:s13+s3], $0x80, v7, vm0, $0xb8;
	[tilespmem:$0x16500] =	vst v63  }
0xd8: {  	s30 =	simm.s32 $0x10500  }
0xd9: {  	[tilespmem:s30], [sflag:$0x1] =	stream.indirect_vreg.gather [hbm4b:s1+s3], $0x80, v6, vm0, $0xb8;
	[tilespmem:$0x16500] =	vst v63  }
0xda: {  	s31 =	simm.s32 $0x10D00  }
0xdb: {  	[tilespmem:s31], [sflag:$0x1] =	stream.indirect_vreg.gather [hbm4b:s11+s3], $0x80, v6, vm0, $0xb8;
	[tilespmem:$0x16500] =	vst v63  }
0xdc: {  	s5 =	simm.s32 $0x11500  }
0xdd: {  	[tilespmem:s5], [sflag:$0x1] =	stream.indirect_vreg.gather [hbm4b:s12+s3], $0x80, v6, vm0, $0xb8;
	[tilespmem:$0x16500] =	vst v63  }
0xde: {  	s6 =	simm.s32 $0x11D00  }
0xdf: {  	[tilespmem:s6], [sflag:$0x1] =	stream.indirect_vreg.gather [hbm4b:s13+s3], $0x80, v6, vm0, $0xb8;
	[tilespmem:$0x16500] =	vst v63  }
0xe0: {  	v6 =	vld [tilespmem:$0x2440];
	_ =	sdelay $0x4  }
0xe1: {  	v7 =	vshll.u32 v6, $0x3  }
0xe2: {  	v6 =	vand.u32 $0x7, v6;
	v7 =	vand.u32 $0xFFFFFFC0, v7  }
0xe3: {  	v6 =	vor.u32 v6, v7  }
0xe4: {  	v7 =	vperm.xlane v6, v3;
	_ =	sdelay $0x1  }
0xe5: {  	v7 =	vadd.s32 v4, v7;
	_ =	sdelay $0x3  }
0xe6: {  	s14 =	simm.s32 $0x12500  }
0xe7: {  	[tilespmem:s14], [sflag:$0x1] =	stream.indirect_vreg.gather [hbm4b:s1+s3], $0x80, v7, vm0, $0xb8;
	[tilespmem:$0x16500] =	vst v63  }
0xe8: {  	s15 =	simm.s32 $0x12D00;
	v6 =	vperm.xlane v6, v5  }
0xe9: {  	[tilespmem:s15], [sflag:$0x1] =	stream.indirect_vreg.gather [hbm4b:s11+s3], $0x80, v7, vm0, $0xb8;
	[tilespmem:$0x16500] =	vst v63  }
0xea: {  	s16 =	simm.s32 $0x13500;
	v6 =	vadd.s32 v4, v6  }
0xeb: {  	[tilespmem:s16], [sflag:$0x1] =	stream.indirect_vreg.gather [hbm4b:s12+s3], $0x80, v7, vm0, $0xb8;
	[tilespmem:$0x16500] =	vst v63  }
0xec: {  	s18 =	simm.s32 $0x13D00  }
0xed: {  	[tilespmem:s18], [sflag:$0x1] =	stream.indirect_vreg.gather [hbm4b:s13+s3], $0x80, v7, vm0, $0xb8;
	[tilespmem:$0x16500] =	vst v63  }
0xee: {  	s21 =	simm.s32 $0x14500  }
0xef: {  	[tilespmem:s21], [sflag:$0x1] =	stream.indirect_vreg.gather [hbm4b:s1+s3], $0x80, v6, vm0, $0xb8;
	[tilespmem:$0x16500] =	vst v63  }
0xf0: {  	s22 =	simm.s32 $0x14D00  }
0xf1: {  	[tilespmem:s22], [sflag:$0x1] =	stream.indirect_vreg.gather [hbm4b:s11+s3], $0x80, v6, vm0, $0xb8;
	[tilespmem:$0x16500] =	vst v63  }
0xf2: {  	s23 =	simm.s32 $0x15500  }
0xf3: {  	[tilespmem:s23], [sflag:$0x1] =	stream.indirect_vreg.gather [hbm4b:s12+s3], $0x80, v6, vm0, $0xb8;
	[tilespmem:$0x16500] =	vst v63  }
0xf4: {  	s24 =	simm.s32 $0x15D00  }
0xf5: {  	[tilespmem:s24], [sflag:$0x1] =	stream.indirect_vreg.gather [hbm4b:s13+s3], $0x80, v6, vm0, $0xb8;
	[tilespmem:$0x16500] =	vst v63  }
0xf6: {  	_ =	swait.ge [sflag:s25], $0x14000  }
0xf7: {  	[sflag:s25] =	ssyncset.done $0x0  }
0xf8: {  	s26 =	rddreg [dreg:$0x6];
	[sflag:s25] =	ssyncadd.s32 $0xFFFEC000  }
0xf9: {  	[hbm4b:s26+s3] =	stream.linear.scatter [tilespmem:s2], [sflag:$0x2], $0x14000, $0x38;
	[tilespmem:$0x16500] =	vst v63  }
0xfa: {  	_ =	swait.ge [sflag:s17], $0x14000  }
0xfb: {  	[sflag:s17] =	ssyncset.done $0x0  }
0xfc: {  	s30 =	simm.s32 $0x2480;
	s29 =	rddreg [dreg:$0x7];
	[sflag:s17] =	ssyncadd.s32 $0xFFFEC000  }
0xfd: {  	[hbm4b:s29+s3] =	stream.linear.scatter [tilespmem:s30], [sflag:$0x2], $0x50, $0x38;
	[tilespmem:$0x16500] =	vst v63  }
0xfe: {  	_ =	swait.ge [sflag:s17], $0x50  }
0xff: {  	s28 =	sadd.s32 $0x1, s28;
	s31 =	rddreg [dreg:$0x8]  }
0x100: {  	p0 =	sne.s32 s28, s31  }
.Ltmp2:
0x101: {  	_ = 	snop;
	(pc) =	sbr.rel @p0 .LBB2_1-.Ltmp2, $3  }
0x102: {  	_ =	sdelay $0x1  }
0x103: {  	[sflag:s17] =	ssyncset.done $0x0  }
0x104: {  	vm15 =	vmmov vm11;
	vm2 =	vmmov vm8;
	[sflag:s17] =	ssyncadd.s32 $0xFFFFFFB0  }
0x105: {  	_ =	sfence.sel $0x180000  }
0x106: {  	[bflag:$0x0] =	sbarrier.arrive $0xFFFF  }
0x107: {  	_ =	strace $0x90000047  }
0x108: {  	s0 =	stileid.u32;
	[bflag:$0x2] =	sbarrier.arrive $0xFFFF  }
0x109: {  	p0 =	sne.s32 s0, $0x0;
	s0 =	rddreg [dreg:$0x3]  }
0x10a: {  	s0 =	sadd.s32 @!p0 $0x100000, s0  }
0x10b: {  	[sflag:s0] =	ssyncadd.tile.s32 @!p0 $0x1;
	_ =	shalt  }
.Lfunc_end2:
_tile_overlayer_lowered:
.L_overlay_start_2:
0x10c: {  	(tag) =	ssettag $0x2  }
0x10d: {  	s0 =	rddreg [dreg:$0x0];
	s2 =	stileid.u32  }
0x10e: {  	s1 =	rddreg [dreg:$0x1];
	p0 =	sne.s32 s2, $0x0  }
0x10f: {  	s3 =	rddreg [dreg:$0x2];
	[bflag:$0x3] =	sbarrier.arrive $0xFFFF;
	s2 =	simm.s32 @!p0 $0x1C02  }
0x110: {  	[timem:s3], [sflag:s2] =	dma.local @!p0 [hbm:s0], s1  }
0x111: {  	s0 =	simm.s32 @!p0 $0x2  }
0x112: {  	_ =	swait.ge @!p0 [sflag:s0], s1  }
0x113: {  	s1 =	ssub.s32 @!p0 $0x0, s1;
	[sflag:s0] =	ssyncset.done @!p0 $0x0  }
0x114: {  	[sflag:s0] =	ssyncadd.s32 @!p0 s1  }
0x115: {  	[bflag:$0x3] =	sbarrier.arrive $0xFFFF  }
0x116: {  	_ =	shalt  }

// kernel: kernel.9.cloned.1.call-start
scs
__scs_entry_jumppad:
0x0: {  	(pc) =	sbr.rel $0x88, $3  }
0x1: {  	(tag) =	ssettag $0x0;
	lr =	simm.s32 $0x1  }
0x2: {  	[smem:$0x3F9C] =	sst lr;
	_ =	strace $0xD0000000  }
0x3: {  	_ = 	snop  }
0x4: {  	_ = 	snop  }
0x5: {  	_ = 	snop  }
0x6: {  	_ = 	snop  }
0x7: {  	_ = 	snop  }
__scs_overlays_trampoline_lowered:
0x8: {  	[smem:$0x3FAB] =	sst s0  }
0x9: {  	[smem:$0x3FAC] =	sst s1  }
0xa: {  	[smem:$0x3FAD] =	sst s2  }
0xb: {  	[smem:$0x3FAE] =	sst s3  }
0xc: {  	[smem:$0x3FAF] =	sst s4  }
0xd: {  	[smem:$0x3FB0] =	sst s5  }
0xe: {  	[smem:$0x3FB1] =	sst s6  }
0xf: {  	[smem:$0x3FB2] =	sst s7  }
0x10: {  	[smem:$0x3FB3] =	sst s8  }
0x11: {  	[smem:$0x3FB4] =	sst s9;
	s0 =	simm.s32 @!p0 $0x0  }
0x12: {  	s1 =	sld [smem:$0x3F9A];
	s0 =	simm.s32 @p0 $0x1  }
0x13: {  	[smem:$0x3FB5] =	sst s0;
	s0 =	simm.s32 @!p1 $0x0  }
0x14: {  	s2 =	sld [smem:$0x3F99];
	s0 =	simm.s32 @p1 $0x1  }
0x15: {  	[smem:$0x3FB6] =	sst s0;
	s0 =	simm.s32 @!p2 $0x0  }
0x16: {  	s3 =	sld [smem:$0x3FDB];
	s0 =	simm.s32 @p2 $0x1  }
0x17: {  	s4 =	simm.s32 $0x1BF5;
	[smem:$0x3FB8] =	sst s0  }
0x18: {  	s0 =	sld [smem:$0x3F9B];
	_ =	swait.ge [sflag:s4], $0x0  }
0x19: {  	s7 =	sld [smem:$0x3F9C]  }
0x1a: {  	s8 =	sadd.s32 $0xFFFFE003, lr  }
0x1b: {  	s9 =	sadd.s32 $0xFFFFFEF7, lr;
	s5 =	simm.s32 $0xFFFFFFFF;
	p2 =	slt.u32 s8, $0xFFFFF086  }
0x1c: {  	p1 =	slt.u32 s9, $0xF7A;
	s5 =	simm.s32 @!p2 $0x0  }
0x1d: {  	s5 =	simm.s32 @p1 $0x1;
	p0 =	seq.s32 s7, s2  }
0x1e: {  	s7 =	smul.u32 @!p0 $0xF7A, s2;
	p2 =	seq.s32 @!p0 s5, $0x0  }
0x1f: {  	s9 =	smul.u32 $0xF7A, s1;
	s8 =	simm.s32 @!p0 $0x1BF5;
	p2 =	por !p2, p0  }
0x20: {  	[sflag:s8] =	ssyncset.s32 @!p0 $0xFFFFF086;
	s6 =	sadd.s32 @!p0 s3, s7;
	s7 =	simm.s32 @!p0 $0x108  }
0x21: {  	s3 =	sadd.s32 s3, s9;
	s6 =	sadd.s32 @!p0 $0x88, s6;
	s7 =	simm.s32 @p2 $0x1082  }
0x22: {  	[simem:s7], [sflag:s8] =	dma.local @!p0 [hbm:s6], $0xF7A  }
0x23: {  	s9 =	sor.u32 $0xD0000000, s2;
	s6 =	simm.s32 $0x108;
	_ =	swait.ge @!p0 [sflag:s8], $0x0  }
0x24: {  	s3 =	sadd.s32 $0x88, s3;
	s6 =	simm.s32 @!p1 $0x1082;
	[sflag:s4] =	ssyncset.s32 $0xFFFFF086  }
0x25: {  	[simem:s6], [sflag:s4] =	dma.local [hbm:s3], $0xF7A  }
0x26: {  	[smem:$0x3F9C] =	sst s1;
	(tag) =	ssettag s2;
	_ =	strace s9  }
0x27: {  	s1 =	sld [smem:$0x3FAC]  }
0x28: {  	s2 =	sld [smem:$0x3FAD]  }
0x29: {  	s4 =	sld [smem:$0x3FAF]  }
0x2a: {  	p0 =	seq.s32 s5, $0x0;
	s5 =	sld [smem:$0x3FB0]  }
0x2b: {  	s6 =	sld [smem:$0x3FB1]  }
0x2c: {  	s7 =	sld [smem:$0x3FB2]  }
0x2d: {  	s3 =	simm.s32 $0x108;
	s8 =	sld [smem:$0x3FB3]  }
0x2e: {  	s3 =	simm.s32 @!p0 $0x1082;
	s9 =	sld [smem:$0x3FB4]  }
0x2f: {  	lr =	sadd.s32 s0, s3;
	s0 =	sld [smem:$0x3FAB]  }
0x30: {  	s3 =	sld [smem:$0x3FAE]  }
0x31: {  	[smem:$0x3FB7] =	sst s10  }
0x32: {  	s10 =	sld [smem:$0x3FB5];
	_ =	sdelay $0x3  }
0x33: {  	p0 =	seq.s32 s10, $0x1;
	s10 =	sld [smem:$0x3FB7];
	_ =	sdelay $0x3  }
0x34: {  	[smem:$0x3FB7] =	sst s10  }
0x35: {  	s10 =	sld [smem:$0x3FB6];
	_ =	sdelay $0x3  }
0x36: {  	p1 =	seq.s32 s10, $0x1;
	s10 =	sld [smem:$0x3FB7];
	_ =	sdelay $0x3  }
0x37: {  	[smem:$0x3FB7] =	sst s10  }
0x38: {  	s10 =	sld [smem:$0x3FB8]  }
0x39: {  	_ = 	snop;
	(pc) =	sbr.ind lr, $3  }
0x3a: {  	_ = 	snop  }
0x3b: {  	_ = 	snop  }
0x3c: {  	p2 =	seq.s32 s10, $0x1;
	s10 =	sld [smem:$0x3FB7]  }
0x3d: {  	_ =	shalt  }
0x3e: {  	_ =	shalt  }
0x3f: {  	_ =	shalt  }
0x40: {  	_ =	shalt  }
0x41: {  	_ =	shalt  }
0x42: {  	_ =	shalt  }
0x43: {  	_ =	shalt  }
0x44: {  	_ =	shalt  }
0x45: {  	_ =	shalt  }
0x46: {  	_ =	shalt  }
0x47: {  	_ =	shalt  }
0x48: {  	_ =	shalt  }
0x49: {  	_ =	shalt  }
0x4a: {  	_ =	shalt  }
0x4b: {  	_ =	shalt  }
0x4c: {  	_ =	shalt  }
0x4d: {  	_ =	shalt  }
0x4e: {  	_ =	shalt  }
0x4f: {  	_ =	shalt  }
0x50: {  	_ =	shalt  }
0x51: {  	_ =	shalt  }
0x52: {  	_ =	shalt  }
0x53: {  	_ =	shalt  }
0x54: {  	_ =	shalt  }
0x55: {  	_ =	shalt  }
0x56: {  	_ =	shalt  }
0x57: {  	_ =	shalt  }
0x58: {  	_ =	shalt  }
0x59: {  	_ =	shalt  }
0x5a: {  	_ =	shalt  }
0x5b: {  	_ =	shalt  }
0x5c: {  	_ =	shalt  }
0x5d: {  	_ =	shalt  }
0x5e: {  	_ =	shalt  }
0x5f: {  	_ =	shalt  }
0x60: {  	_ =	shalt  }
0x61: {  	_ =	shalt  }
0x62: {  	_ =	shalt  }
0x63: {  	_ =	shalt  }
0x64: {  	_ =	shalt  }
0x65: {  	_ =	shalt  }
0x66: {  	_ =	shalt  }
0x67: {  	_ =	shalt  }
0x68: {  	_ =	shalt  }
0x69: {  	_ =	shalt  }
0x6a: {  	_ =	shalt  }
0x6b: {  	_ =	shalt  }
0x6c: {  	_ =	shalt  }
0x6d: {  	_ =	shalt  }
0x6e: {  	_ =	shalt  }
0x6f: {  	_ =	shalt  }
0x70: {  	_ =	shalt  }
0x71: {  	_ =	shalt  }
0x72: {  	_ =	shalt  }
0x73: {  	_ =	shalt  }
0x74: {  	_ =	shalt  }
0x75: {  	_ =	shalt  }
0x76: {  	_ =	shalt  }
0x77: {  	_ =	shalt  }
0x78: {  	_ =	shalt  }
0x79: {  	_ =	shalt  }
0x7a: {  	_ =	shalt  }
0x7b: {  	_ =	shalt  }
0x7c: {  	_ =	shalt  }
0x7d: {  	_ =	shalt  }
0x7e: {  	_ =	shalt  }
0x7f: {  	_ =	shalt  }
0x80: {  	_ =	shalt  }
0x81: {  	_ =	shalt  }
0x82: {  	_ =	shalt  }
0x83: {  	_ =	shalt  }
0x84: {  	_ =	shalt  }
0x85: {  	_ =	shalt  }
0x86: {  	_ =	shalt  }
0x87: {  	_ =	shalt  }
.Lfunc_end0:
.L_simem_size_0:
called_computation.1_lowered:
.L_overlay_start_0:
0x88: {  	s2 =	sld [smem:$0x3FD9]  }
0x89: {  	s3 =	sld [smem:$0x3FFE];
	_ =	sdelay $0x1  }
0x8a: {  	s1 =	srdreg.scid  }
0x8b: {  	s0 =	sand.u32 $0x1, s1  }
0x8c: {  	s17 =	sshll.u32 s0, $0xA;
	s2 =	sadd.s32 s3, s2  }
0x8d: {  	s2 =	sadd.s32 s2, s17  }
0x8e: {  	[smem:$0x3FC3] =	sst s2  }
0x8f: {  	_ = 	snop  }
0x90: {  	s2 =	sld [smem:$0x3FD0];
	(tm) =	ssettm $0x1  }
0x91: {  	s18 =	sld [smem:$0x3FFB];
	_ =	sdelay $0x3  }
0x92: {  	_ =	strace s18  }
0x93: {  	s3 =	sld [smem:$0x3FFC];
	_ =	sdelay $0x3  }
0x94: {  	_ =	strace s3  }
0x95: {  	s3 =	sld [smem:$0x3FFD];
	_ =	sdelay $0x3  }
0x96: {  	_ =	strace s3  }
0x97: {  	_ =	strace $0x8FFFFFFF  }
0x98: {  	s19 =	sld [smem:$0x3FDB];
	_ =	sdelay $0x1  }
0x99: {  	s4 =	simm.s32 $_scs_section_size  }
0x9a: {  	s5 =	simm.s32 $_size__tile_overlayer_lowered;
	s6 =	simm.s32 $_tile_overlayer_lowered  }
0x9b: {  	s22 =	simm.s32 $0x1BFF;
	s21 =	sshll.u32 s6, $0x1;
	s3 =	sadd.s32 s4, s19  }
0x9c: {  	s7 =	simm.s32 $0x0;
	s20 =	sshll.u32 s5, $0x1;
	s5 =	sadd.s32 s21, s3  }
0x9d: {  	[timem:s7], [sflag:s22] =	dma.local [hbm:s5], s20  }
0x9e: {  	_ =	swait.ge [sflag:s22], s20  }
0x9f: {  	s4 =	ssub.s32 $0x0, s20;
	[sflag:s22] =	ssyncset.done $0x0  }
0xa0: {  	[sflag:s22] =	ssyncadd.s32 s4;
	_ =	sdelay $0x1  }
0xa1: {  	s23 =	simm.s32 $0x1B8B  }
0xa2: {  	_ =	swait.ge [sflag:s23], $0x1  }
0xa3: {  	[sflag:s23] =	ssyncset.done $0x0  }
0xa4: {  	s25 =	simm.s32 $0x1B8E;
	s24 =	sld [smem:$0x3FFE];
	[sflag:s23] =	ssyncadd.s32 $0xFFFFFFFF  }
0xa5: {  	s26 =	simm.s32 $execute0_lowered;
	[smem:$0x3FD2] =	sst s25  }
0xa6: {  	s5 =	sshll.u32 s26, $0x1;
	_ =	strace $0x80000049;
	[dreg:$0x1] =	wrdreg $0xFFFFFFFF  }
0xa7: {  	s28 =	simm.s32 $_size_execute0_lowered;
	s3 =	sadd.s32 s3, s5;
	[dreg:$0x0] =	wrdreg $0x0  }
0xa8: {  	s5 =	sshll.u32 s28, $0x1;
	[dreg:$0x2] =	wrdreg s3  }
0xa9: {  	[dreg:$0x3] =	wrdreg s5  }
0xaa: {  	[dreg:$0x4] =	wrdreg $0xC0  }
0xab: {  	_ =	task [dreg:s7], $0x5FFFF  }
0xac: {  	[dreg:$0x1] =	wrdreg $0xFFFFFFFF  }
0xad: {  	[dreg:$0x0] =	wrdreg $0x60  }
0xae: {  	[dreg:$0x2] =	wrdreg s24  }
0xaf: {  	[dreg:$0x3] =	wrdreg s2  }
0xb0: {  	[dreg:$0x4] =	wrdreg $0x9  }
0xb1: {  	_ =	task.clear_ibuf [dreg:s7], $0x5FFFF;
	_ =	strace $0x90000049  }
0xb2: {  	s29 =	simm.s32 $0x9;
	_ =	strace $0x8000004B  }
0xb3: {  	_ =	swait.ge [sflag:s29], $0x1  }
0xb4: {  	[sflag:s29] =	ssyncadd.s32 $0xFFFFFFFF  }
0xb5: {  	_ =	strace $0x9000004B  }
0xb6: {  	_ =	sfence  }
0xb7: {  	s30 =	sld [smem:$0x0];
	_ =	sdelay $0x2  }
0xb8: {  	s31 =	sshll.u32 s1, $0xD;
	s1 =	sshrl.u32 s1, $0x2  }
0xb9: {  	s3 =	sand.u32 $0x4000, s31;
	s1 =	sadd.s32 s1, s30  }
0xba: {  	s0 =	sor.u32 s3, s0;
	s1 =	sshll.u32 s1, $0x11  }
0xbb: {  	s0 =	sor.u32 s1, s0  }
0xbc: {  	s0 =	sadd.s32 $0x8F2B, s0  }
0xbd: {  	[sflag:s0] =	ssyncadd.remote.s32 $0x1  }
0xbe: {  	_ =	sfence.sel $0xFFFF  }
0xbf: {  	[dreg:$0x0] =	wrdreg $0xFFFFFFFF;
	(pc) =	sbr.abs _section_cstart, $3  }
0xc0: {  	[dreg:$0x1] =	wrdreg $0xFFFFFFFF  }
0xc1: {  	_ =	task.clear_ibuf [dreg:s7], $0x2FFFF;
	_ =	strace $0x9FFFFFFF  }
0xc2: {  	(tm) =	ssettm $0x7FFFFFFF  }
0xc3: {  	_ =	shalt  }
tec
execute0_lowered:
.L_overlay_start_1:
0x0: {  	(tag) =	ssettag $0x1  }
0x1: {  	s1 =	srdreg.scid  }
0x2: {  	s0 =	stileid.u32;
	s6 =	rddreg [dreg:$0x0]  }
0x3: {  	s4 =	rddreg [dreg:$0x1];
	s18 =	simm.s32 $0x880;
	s19 =	simm.s32 $0x1080  }
0x4: {  	s20 =	simm.s32 $0x1880;
	s22 =	simm.s32 $0x2080;
	s23 =	simm.s32 $0x2880  }
0x5: {  	s7 =	simm.s32 $0x3080;
	s24 =	simm.s32 $0x3880;
	s8 =	simm.s32 $0x4080  }
0x6: {  	s25 =	simm.s32 $0x4880;
	s26 =	simm.s32 $0x5080;
	s1 =	sand.u32 $0x1, s1  }
0x7: {  	s9 =	simm.s32 $0x80;
	s2 =	sshll.u32 s0, $0x7;
	s3 =	sshll.u32 s1, $0x6  }
0x8: {  	s11 =	simm.s32 $0x6080;
	s3 =	sor.u32 s3, s2;
	s2 =	simm.s32 $0x0  }
0x9: {  	s12 =	simm.s32 $0x6880;
	s13 =	simm.s32 $0x7080;
	[smem:$0x7FF] =	sst s2  }
0xa: {  	s14 =	simm.s32 $0x7880;
	_ =	strace $0x8000004A;
	[dreg:$0x5] =	wrdreg s18  }
0xb: {  	s15 =	simm.s32 $0x8080;
	s16 =	simm.s32 $0x8880;
	[dreg:$0x6] =	wrdreg s19  }
0xc: {  	s17 =	simm.s32 $0x9080;
	s28 =	simm.s32 $0xE080;
	[dreg:$0x7] =	wrdreg s20  }
0xd: {  	s29 =	simm.s32 $0xE880;
	s30 =	simm.s32 $0xF080;
	[dreg:$0x8] =	wrdreg s22  }
0xe: {  	s31 =	simm.s32 $0xF880;
	s1 =	ssub.s32 $0x2, s1;
	[dreg:$0x9] =	wrdreg s23  }
0xf: {  	s21 =	sshrl.u32 s1, $0x1;
	s5 =	sshrl.u32 s3, $0x3;
	[dreg:$0xa] =	wrdreg s7  }
0x10: {  	s3 =	sshll.u32 s3, $0x7;
	s1 =	ssub.s32 s1, s21;
	[dreg:$0xb] =	wrdreg s24  }
0x11: {  	s21 =	simm.s32 $0xB080;
	s5 =	sadd.s32 s5, s6;
	[dreg:$0xc] =	wrdreg s8  }
0x12: {  	s3 =	sadd.s32 s4, s3;
	s4 =	sadd.s32 $0x2300, s6;
	[dreg:$0xd] =	wrdreg s25  }
0x13: {  	s7 =	smax.u32 s1, $0x1;
	s8 =	simm.s32 $0x2;
	[dreg:$0xe] =	wrdreg s26  }
0x14: {  	s18 =	simm.s32 $0x9880;
	s19 =	simm.s32 $0xA080;
	s20 =	simm.s32 $0xA880  }
0x15: {  	s22 =	simm.s32 $0xB880;
	s23 =	simm.s32 $0xC080;
	s24 =	simm.s32 $0xC880  }
0x16: {  	v2 =	vlaneseq.u32;
	s25 =	simm.s32 $0xD080;
	s26 =	simm.s32 $0xD880;
	s1 =	simm.s32 $0x1  }
0x17: {  	vm0 =	vmmov $0xffff;
	v1 =	vshrl.u32 v2, $0x3;
	s5 =	sadd.s32 $0x2000, s5;
	[dreg:$0x4] =	wrdreg s3;
	s3 =	sadd.s32 $0x2200, s6  }
0x18: {  	v0 =	vand.u32 $0x7, v2;
	v2 =	vor.u32 $0x8, v2;
	v1 =	vmul.u32 $0x8, v1;
	[dreg:$0x3] =	wrdreg s5;
	s5 =	sadd.s32 $0x2400, s6;
	s6 =	sadd.s32 $0x2500, s6  }
.LBB2_1:
0x19: {  	s0 =	rddreg [dreg:$0x3]  }
0x1a: {  	[tilespmem:s2], [sflag:$0x2] =	stream.linear.gather [hbm4b:s0+s2], $0x40, $0x38;
	[tilespmem:$0x10080] =	vst v63  }
0x1b: {  	_ =	swait.ge [sflag:s8], $0x40  }
0x1c: {  	[sflag:s8] =	ssyncset.done $0x0  }
0x1d: {  	[sflag:s8] =	ssyncadd.s32 $0xFFFFFFC0  }
0x1e: {  	v3 =	vld [tilespmem:$0x0];
	_ =	sdelay $0x4  }
0x1f: {  	v4 =	vshll.u32 v3, $0x3  }
0x20: {  	v3 =	vand.u32 $0x7, v3;
	v4 =	vand.u32 $0xFFFFFFC0, v4  }
0x21: {  	v3 =	vor.u32 v3, v4  }
0x22: {  	v4 =	vperm.xlane v3, v0;
	_ =	sdelay $0x1  }
0x23: {  	v4 =	vadd.s32 v1, v4;
	_ =	sdelay $0x4  }
0x24: {  	[tilespmem:s9], [sflag:$0x1] =	stream.indirect_vreg.gather [hbm4b:s3+s2], $0x80, v4, vm0, $0xb8;
	[tilespmem:$0x10080] =	vst v63  }
0x25: {  	s0 =	rddreg [dreg:$0x5];
	v3 =	vperm.xlane v3, v2  }
0x26: {  	[tilespmem:s0], [sflag:$0x1] =	stream.indirect_vreg.gather [hbm4b:s4+s2], $0x80, v4, vm0, $0xb8;
	[tilespmem:$0x10080] =	vst v63  }
0x27: {  	s10 =	rddreg [dreg:$0x6];
	v3 =	vadd.s32 v1, v3  }
0x28: {  	[tilespmem:s10], [sflag:$0x1] =	stream.indirect_vreg.gather [hbm4b:s5+s2], $0x80, v4, vm0, $0xb8;
	[tilespmem:$0x10080] =	vst v63  }
0x29: {  	s0 =	rddreg [dreg:$0x7]  }
0x2a: {  	[tilespmem:s0], [sflag:$0x1] =	stream.indirect_vreg.gather [hbm4b:s6+s2], $0x80, v4, vm0, $0xb8;
	[tilespmem:$0x10080] =	vst v63  }
0x2b: {  	s10 =	rddreg [dreg:$0x8]  }
0x2c: {  	[tilespmem:s10], [sflag:$0x1] =	stream.indirect_vreg.gather [hbm4b:s3+s2], $0x80, v3, vm0, $0xb8;
	[tilespmem:$0x10080] =	vst v63  }
0x2d: {  	s0 =	rddreg [dreg:$0x9]  }
0x2e: {  	[tilespmem:s0], [sflag:$0x1] =	stream.indirect_vreg.gather [hbm4b:s4+s2], $0x80, v3, vm0, $0xb8;
	[tilespmem:$0x10080] =	vst v63  }
0x2f: {  	s10 =	rddreg [dreg:$0xa]  }
0x30: {  	[tilespmem:s10], [sflag:$0x1] =	stream.indirect_vreg.gather [hbm4b:s5+s2], $0x80, v3, vm0, $0xb8;
	[tilespmem:$0x10080] =	vst v63  }
0x31: {  	s0 =	rddreg [dreg:$0xb]  }
0x32: {  	[tilespmem:s0], [sflag:$0x1] =	stream.indirect_vreg.gather [hbm4b:s6+s2], $0x80, v3, vm0, $0xb8;
	[tilespmem:$0x10080] =	vst v63  }
0x33: {  	v3 =	vld [tilespmem:$0x10];
	_ =	sdelay $0x4  }
0x34: {  	v61 =	vshll.u32 v3, $0x3  }
0x35: {  	v3 =	vand.u32 $0x7, v3;
	v4 =	vand.u32 $0xFFFFFFC0, v61  }
0x36: {  	v3 =	vor.u32 v3, v4  }
0x37: {  	v4 =	vperm.xlane v3, v0;
	_ =	sdelay $0x1  }
0x38: {  	v4 =	vadd.s32 v1, v4;
	_ =	sdelay $0x3  }
0x39: {  	s0 =	rddreg [dreg:$0xc]  }
0x3a: {  	[tilespmem:s0], [sflag:$0x1] =	stream.indirect_vreg.gather [hbm4b:s3+s2], $0x80, v4, vm0, $0xb8;
	[tilespmem:$0x10080] =	vst v63  }
0x3b: {  	s10 =	rddreg [dreg:$0xd];
	v3 =	vperm.xlane v3, v2  }
0x3c: {  	[tilespmem:s10], [sflag:$0x1] =	stream.indirect_vreg.gather [hbm4b:s4+s2], $0x80, v4, vm0, $0xb8;
	[tilespmem:$0x10080] =	vst v63  }
0x3d: {  	v3 =	vadd.s32 v1, v3;
	s0 =	rddreg [dreg:$0xe]  }
0x3e: {  	[tilespmem:s0], [sflag:$0x1] =	stream.indirect_vreg.gather [hbm4b:s5+s2], $0x80, v4, vm0, $0xb8;
	[tilespmem:$0x10080] =	vst v63  }
0x3f: {  	s10 =	simm.s32 $0x5880  }
0x40: {  	[tilespmem:s10], [sflag:$0x1] =	stream.indirect_vreg.gather [hbm4b:s6+s2], $0x80, v4, vm0, $0xb8;
	[tilespmem:$0x10080] =	vst v63  }
0x41: {  	_ = 	snop  }
0x42: {  	[tilespmem:s11], [sflag:$0x1] =	stream.indirect_vreg.gather [hbm4b:s3+s2], $0x80, v3, vm0, $0xb8;
	[tilespmem:$0x10080] =	vst v63  }
0x43: {  	_ = 	snop  }
0x44: {  	[tilespmem:s12], [sflag:$0x1] =	stream.indirect_vreg.gather [hbm4b:s4+s2], $0x80, v3, vm0, $0xb8;
	[tilespmem:$0x10080] =	vst v63  }
0x45: {  	_ = 	snop  }
0x46: {  	[tilespmem:s13], [sflag:$0x1] =	stream.indirect_vreg.gather [hbm4b:s5+s2], $0x80, v3, vm0, $0xb8;
	[tilespmem:$0x10080] =	vst v63  }
0x47: {  	_ = 	snop  }
0x48: {  	[tilespmem:s14], [sflag:$0x1] =	stream.indirect_vreg.gather [hbm4b:s6+s2], $0x80, v3, vm0, $0xb8;
	[tilespmem:$0x10080] =	vst v63  }
0x49: {  	v3 =	vld [tilespmem:$0x20];
	_ =	sdelay $0x4  }
0x4a: {  	v62 =	vshll.u32 v3, $0x3  }
0x4b: {  	v3 =	vand.u32 $0x7, v3;
	v4 =	vand.u32 $0xFFFFFFC0, v62  }
0x4c: {  	v3 =	vor.u32 v3, v4  }
0x4d: {  	v4 =	vperm.xlane v3, v0;
	_ =	sdelay $0x1  }
0x4e: {  	v4 =	vadd.s32 v1, v4;
	_ =	sdelay $0x4  }
0x4f: {  	[tilespmem:s15], [sflag:$0x1] =	stream.indirect_vreg.gather [hbm4b:s3+s2], $0x80, v4, vm0, $0xb8;
	[tilespmem:$0x10080] =	vst v63  }
0x50: {  	v3 =	vperm.xlane v3, v2  }
0x51: {  	[tilespmem:s16], [sflag:$0x1] =	stream.indirect_vreg.gather [hbm4b:s4+s2], $0x80, v4, vm0, $0xb8;
	[tilespmem:$0x10080] =	vst v63  }
0x52: {  	v3 =	vadd.s32 v1, v3  }
0x53: {  	[tilespmem:s17], [sflag:$0x1] =	stream.indirect_vreg.gather [hbm4b:s5+s2], $0x80, v4, vm0, $0xb8;
	[tilespmem:$0x10080] =	vst v63  }
0x54: {  	_ = 	snop  }
0x55: {  	[tilespmem:s18], [sflag:$0x1] =	stream.indirect_vreg.gather [hbm4b:s6+s2], $0x80, v4, vm0, $0xb8;
	[tilespmem:$0x10080] =	vst v63  }
0x56: {  	_ = 	snop  }
0x57: {  	[tilespmem:s19], [sflag:$0x1] =	stream.indirect_vreg.gather [hbm4b:s3+s2], $0x80, v3, vm0, $0xb8;
	[tilespmem:$0x10080] =	vst v63  }
0x58: {  	_ = 	snop  }
0x59: {  	[tilespmem:s20], [sflag:$0x1] =	stream.indirect_vreg.gather [hbm4b:s4+s2], $0x80, v3, vm0, $0xb8;
	[tilespmem:$0x10080] =	vst v63  }
0x5a: {  	_ = 	snop  }
0x5b: {  	[tilespmem:s21], [sflag:$0x1] =	stream.indirect_vreg.gather [hbm4b:s5+s2], $0x80, v3, vm0, $0xb8;
	[tilespmem:$0x10080] =	vst v63  }
0x5c: {  	_ = 	snop  }
0x5d: {  	[tilespmem:s22], [sflag:$0x1] =	stream.indirect_vreg.gather [hbm4b:s6+s2], $0x80, v3, vm0, $0xb8;
	[tilespmem:$0x10080] =	vst v63  }
0x5e: {  	v3 =	vld [tilespmem:$0x30];
	_ =	sdelay $0x4  }
0x5f: {  	v63 =	vshll.u32 v3, $0x3  }
0x60: {  	v3 =	vand.u32 $0x7, v3;
	v4 =	vand.u32 $0xFFFFFFC0, v63  }
0x61: {  	v3 =	vor.u32 v3, v4  }
0x62: {  	v4 =	vperm.xlane v3, v0;
	_ =	sdelay $0x1  }
0x63: {  	v4 =	vadd.s32 v1, v4;
	_ =	sdelay $0x4  }
0x64: {  	[tilespmem:s23], [sflag:$0x1] =	stream.indirect_vreg.gather [hbm4b:s3+s2], $0x80, v4, vm0, $0xb8;
	[tilespmem:$0x10080] =	vst v63  }
0x65: {  	v3 =	vperm.xlane v3, v2  }
0x66: {  	[tilespmem:s24], [sflag:$0x1] =	stream.indirect_vreg.gather [hbm4b:s4+s2], $0x80, v4, vm0, $0xb8;
	[tilespmem:$0x10080] =	vst v63  }
0x67: {  	v3 =	vadd.s32 v1, v3  }
0x68: {  	[tilespmem:s25], [sflag:$0x1] =	stream.indirect_vreg.gather [hbm4b:s5+s2], $0x80, v4, vm0, $0xb8;
	[tilespmem:$0x10080] =	vst v63  }
0x69: {  	_ = 	snop  }
0x6a: {  	[tilespmem:s26], [sflag:$0x1] =	stream.indirect_vreg.gather [hbm4b:s6+s2], $0x80, v4, vm0, $0xb8;
	[tilespmem:$0x10080] =	vst v63  }
0x6b: {  	_ = 	snop  }
0x6c: {  	[tilespmem:s28], [sflag:$0x1] =	stream.indirect_vreg.gather [hbm4b:s3+s2], $0x80, v3, vm0, $0xb8;
	[tilespmem:$0x10080] =	vst v63  }
0x6d: {  	_ = 	snop  }
0x6e: {  	[tilespmem:s29], [sflag:$0x1] =	stream.indirect_vreg.gather [hbm4b:s4+s2], $0x80, v3, vm0, $0xb8;
	[tilespmem:$0x10080] =	vst v63  }
0x6f: {  	_ = 	snop  }
0x70: {  	[tilespmem:s30], [sflag:$0x1] =	stream.indirect_vreg.gather [hbm4b:s5+s2], $0x80, v3, vm0, $0xb8;
	[tilespmem:$0x10080] =	vst v63  }
0x71: {  	_ = 	snop  }
0x72: {  	[tilespmem:s31], [sflag:$0x1] =	stream.indirect_vreg.gather [hbm4b:s6+s2], $0x80, v3, vm0, $0xb8;
	[tilespmem:$0x10080] =	vst v63  }
0x73: {  	_ =	swait.ge [sflag:s1], $0x10000  }
0x74: {  	p0 =	sne.s32 s7, $0x1;
	[sflag:s1] =	ssyncset.done $0x0  }
.Ltmp0:
0x75: {  	s10 =	rddreg [dreg:$0x4];
	[sflag:s1] =	ssyncadd.s32 $0xFFFF0000;
	(pc) =	sbr.rel @p0 .LBB2_1-.Ltmp0, $4  }
0x76: {  	[hbm4b:s10+s2] =	stream.linear.scatter [tilespmem:s9], [sflag:$0x2], $0x10000, $0x38;
	[tilespmem:$0x10080] =	vst v63  }
0x77: {  	_ =	swait.ge [sflag:s8], $0x10000  }
0x78: {  	[sflag:s8] =	ssyncset.done $0x0  }
0x79: {  	s7 =	sadd.s32 $0xFFFFFFFF, s7;
	[sflag:s8] =	ssyncadd.s32 $0xFFFF0000  }
0x7a: {  	_ =	sfence.sel $0x180000  }
0x7b: {  	[bflag:$0x0] =	sbarrier.arrive $0xFFFF  }
0x7c: {  	_ =	strace $0x9000004A  }
0x7d: {  	s0 =	stileid.u32;
	[bflag:$0x2] =	sbarrier.arrive $0xFFFF  }
0x7e: {  	p0 =	sne.s32 s0, $0x0;
	s0 =	rddreg [dreg:$0x2]  }
0x7f: {  	s0 =	sadd.s32 @!p0 $0x100000, s0  }
0x80: {  	[sflag:s0] =	ssyncadd.tile.s32 @!p0 $0x1;
	_ =	shalt  }
.Lfunc_end2:
_tile_overlayer_lowered:
.L_overlay_start_2:
0x81: {  	(tag) =	ssettag $0x2  }
0x82: {  	s0 =	rddreg [dreg:$0x0];
	s2 =	stileid.u32  }
0x83: {  	s1 =	rddreg [dreg:$0x1];
	p0 =	sne.s32 s2, $0x0  }
0x84: {  	s3 =	rddreg [dreg:$0x2];
	[bflag:$0x3] =	sbarrier.arrive $0xFFFF;
	s2 =	simm.s32 @!p0 $0x1C02  }
0x85: {  	[timem:s3], [sflag:s2] =	dma.local @!p0 [hbm:s0], s1  }
0x86: {  	s0 =	simm.s32 @!p0 $0x2  }
0x87: {  	_ =	swait.ge @!p0 [sflag:s0], s1  }
0x88: {  	s1 =	ssub.s32 @!p0 $0x0, s1;
	[sflag:s0] =	ssyncset.done @!p0 $0x0  }
0x89: {  	[sflag:s0] =	ssyncadd.s32 @!p0 s1  }
0x8a: {  	[bflag:$0x3] =	sbarrier.arrive $0xFFFF  }
0x8b: {  	_ =	shalt  }

</sc_bundles>
